<compile_context>
chip_gen: v7x
topology: tpu7x:2x2x1
jax: 0.10.2.dev20260603
libtpu: 0.0.44.dev20260713+nightly
codegen_flags: <defaults>
</compile_context>

<pallas_src>
import functools

import jax
import jax.numpy as jnp
from jax import lax
from jax.experimental import pallas as pl
from jax.experimental.pallas import tpu as pltpu
from jax.experimental.pallas import tpu_sc as plsc

N_USERS = 100000
N_ITEMS = 1000
BATCH = 16384

NC = 2
NS = 16
L = 16
NW = NC * NS
BPW = BATCH // NW

_mesh = plsc.VectorSubcoreMesh(core_axis_name="c", subcore_axis_name="s")


@functools.partial(
    pl.kernel,
    out_type=jax.ShapeDtypeStruct((BATCH,), jnp.float32),
    mesh=_mesh,
    compiler_params=pltpu.CompilerParams(needs_layout_passes=False),
    scratch_types=[
        pltpu.VMEM((BPW,), jnp.int32),
        pltpu.VMEM((BPW,), jnp.int32),
        pltpu.VMEM((8 * BPW,), jnp.int32),
        pltpu.VMEM((BPW, 128), jnp.float32),
        pltpu.VMEM((BPW,), jnp.float32),
        pltpu.SemaphoreType.DMA,
    ],
)
def _gather_kernel(propT_hbm, user_hbm, item_hbm, out_hbm,
                   user_v, item_v, il8_v, rows_v, out_v, sem):
    wid = lax.axis_index("s") * NC + lax.axis_index("c")
    base = wid * BPW

    cin1 = pltpu.async_copy(user_hbm.at[pl.ds(base, BPW)], user_v, sem)
    cin2 = pltpu.async_copy(item_hbm.at[pl.ds(base, BPW)], item_v, sem)
    cin1.wait()
    cin2.wait()

    iota = lax.broadcasted_iota(jnp.int32, (L,), 0)

    def issue(g, carry):
        gbase = pl.multiple_of(g * L, L)
        itv = item_v[pl.ds(gbase, L)]
        plsc.store_scatter(il8_v, [(iota + g * L) * 8], itv)
        uv = user_v[pl.ds(gbase, L)]
        wv = (uv >> 7) * 128
        for lane in range(L):
            p = g * L + lane
            lstart = pl.multiple_of(p * 8, 8)
            w = pl.multiple_of(wv[lane], 128)
            pltpu.async_copy(
                propT_hbm.at[il8_v.at[pl.ds(lstart, 1)], pl.ds(w, 128)],
                rows_v.at[pl.ds(p, 1), :],
                sem,
            )
        return carry

    lax.fori_loop(0, BPW // L, issue, jnp.int32(0))

    pltpu.make_async_copy(
        propT_hbm.at[pl.ds(0, BPW), pl.ds(0, 128)],
        rows_v,
        sem,
    ).wait()

    for g in range(BPW // L):
        jv = iota + g * L
        col = user_v[pl.ds(g * L, L)] & 127
        out_v[pl.ds(g * L, L)] = plsc.load_gather(rows_v, [jv, col])

    pltpu.sync_copy(out_v, out_hbm.at[pl.ds(base, BPW)])


def kernel(prop, user_idx, item_idx):
    return _gather_kernel(jnp.swapaxes(prop, 0, 1), user_idx, item_idx)

# --- scband reference (transcript-rebuilt; emitter-appended) ---
"""Pipeline reference for scband-from-coat-file-47880295416419 (READ-ONLY COPY).

The authoritative reference and input builder live on the scoring server;
editing this copy changes nothing except your own understanding.
"""

import jax, jax.numpy as jnp
import numpy as np

N_USERS = 100000
N_ITEMS = 1000
BATCH = 16384


def setup_inputs(seed: int = 0) -> dict:
    key = jax.random.key(seed)
    k1, k2, k3 = jax.random.split(key, 3)
    # Propensity matrix U x I (the 'prop' tensor passed to __init__ in torch).
    prop = jax.random.uniform(k1, (N_USERS, N_ITEMS), dtype=jnp.float32, minval=0.01, maxval=1.0)
    user_idx = jax.random.randint(k2, (BATCH,), 0, N_USERS, dtype=jnp.int32)
    item_idx = jax.random.randint(k3, (BATCH,), 0, N_ITEMS, dtype=jnp.int32)
    return {"prop": prop, "user_idx": user_idx, "item_idx": item_idx}


def reference(prop, user_idx, item_idx):
    # Faithful to: self.prop[batch[self.fuid], batch[self.fiid]]
    # Advanced integer indexing on two axes -> per-pair gather.
    return prop[user_idx, item_idx]

if __name__ == "__main__":
    import jax
    _d = setup_inputs()
    print(jax.jit(kernel)(*tuple(_d.values())))

</pallas_src>

<mosaic_0001>
#map = affine_map<(d0, d1) -> (0, 0)>
#map1 = affine_map<(d0, d1) -> (0)>
module attributes {stable_mosaic.version = 14 : i64} {
  func.func @_gather_kernel(%arg0: i32, %arg1: i32, %arg2: memref<1000x100000xf32, #tpu.memory_space<hbm>>, %arg3: memref<16384xi32, #tpu.memory_space<hbm>>, %arg4: memref<16384xi32, #tpu.memory_space<hbm>>, %arg5: memref<16384xf32, #tpu.memory_space<hbm>>, %arg6: memref<512xi32, #tpu.memory_space<vmem>>, %arg7: memref<512xi32, #tpu.memory_space<vmem>>, %arg8: memref<4096xi32, #tpu.memory_space<vmem>>, %arg9: memref<512x128xf32, #tpu.memory_space<vmem>>, %arg10: memref<512xf32, #tpu.memory_space<vmem>>, %arg11: memref<!tpu.dma_semaphore, #tpu.memory_space<semaphore_mem>>) attributes {dimension_semantics = [#tpu.dimension_semantics<core_parallel>, #tpu.dimension_semantics<subcore_parallel>], iteration_bounds = array<i64: 2, 16>, scalar_prefetch = 0 : i64, scratch_operands = 6 : i64, tpu.core_type = #tpu.core_type<sc_vector_subcore>, window_params = [{transform_indices = #map}, {transform_indices = #map1}, {transform_indices = #map1}, {transform_indices = #map1}]} {
    %mul3A = arith.constant 2 : i32
    %mul3A_0 = arith.muli %arg1, %mul3A : i32
    %add3A = arith.addi %mul3A_0, %arg0 : i32
    %mul3A_1 = arith.constant 512 : i32
    %mul3A_2 = arith.muli %add3A, %mul3A_1 : i32
    %dma_start3A = tpu.memref_slice %arg3[%mul3A_2] : memref<16384xi32, #tpu.memory_space<hbm>> -> memref<512xi32, #tpu.memory_space<hbm>>
    %dma_start3A_3 = tpu.memref_slice %arg3[%mul3A_2] : memref<16384xi32, #tpu.memory_space<hbm>> -> memref<512xi32, #tpu.memory_space<hbm>>
    tpu.enqueue_dma source(%dma_start3A_3 : memref<512xi32, #tpu.memory_space<hbm>>) target(%arg6 : memref<512xi32, #tpu.memory_space<vmem>>) target_semaphore(%arg11 : memref<!tpu.dma_semaphore, #tpu.memory_space<semaphore_mem>>)
    %dma_start3A_4 = tpu.memref_slice %arg4[%mul3A_2] : memref<16384xi32, #tpu.memory_space<hbm>> -> memref<512xi32, #tpu.memory_space<hbm>>
    %dma_start3A_5 = tpu.memref_slice %arg4[%mul3A_2] : memref<16384xi32, #tpu.memory_space<hbm>> -> memref<512xi32, #tpu.memory_space<hbm>>
    tpu.enqueue_dma source(%dma_start3A_5 : memref<512xi32, #tpu.memory_space<hbm>>) target(%arg7 : memref<512xi32, #tpu.memory_space<vmem>>) target_semaphore(%arg11 : memref<!tpu.dma_semaphore, #tpu.memory_space<semaphore_mem>>)
    %dma_wait3A = tpu.memref_slice %arg3[%mul3A_2] : memref<16384xi32, #tpu.memory_space<hbm>> -> memref<512xi32, #tpu.memory_space<hbm>>
    %dma_wait3A_6 = tpu.memref_slice %arg3[%mul3A_2] : memref<16384xi32, #tpu.memory_space<hbm>> -> memref<512xi32, #tpu.memory_space<hbm>>
    tpu.wait_dma2 semaphore(%arg11 : memref<!tpu.dma_semaphore, #tpu.memory_space<semaphore_mem>>) src(%dma_wait3A_6 : memref<512xi32, #tpu.memory_space<hbm>>) dst(%arg6 : memref<512xi32, #tpu.memory_space<vmem>>)
    %dma_wait3A_7 = tpu.memref_slice %arg4[%mul3A_2] : memref<16384xi32, #tpu.memory_space<hbm>> -> memref<512xi32, #tpu.memory_space<hbm>>
    %dma_wait3A_8 = tpu.memref_slice %arg4[%mul3A_2] : memref<16384xi32, #tpu.memory_space<hbm>> -> memref<512xi32, #tpu.memory_space<hbm>>
    tpu.wait_dma2 semaphore(%arg11 : memref<!tpu.dma_semaphore, #tpu.memory_space<semaphore_mem>>) src(%dma_wait3A_8 : memref<512xi32, #tpu.memory_space<hbm>>) dst(%arg7 : memref<512xi32, #tpu.memory_space<vmem>>)
    %iota3A = tpu.iota {dimensions = array<i32: 0>} : vector<16xi32>
    %scan3A = arith.constant 0 : i32
    %scan3A_9 = arith.constant 0 : i32
    %scan3A_10 = arith.constant 32 : i32
    %scan3A_11 = arith.addi %scan3A_9, %scan3A_10 : i32
    %scan3A_12 = arith.constant 1 : i32
    scf.for %scan3A_368 = %scan3A_9 to %scan3A_11 step %scan3A_12  : i32 {
      %mul3A_369 = arith.constant 16 : i32
      %mul3A_370 = arith.muli %scan3A_368, %mul3A_369 : i32
      %multiple_of3A = tpu.assume_multiple %mul3A_370, 16 : i32
      %get3A_371 = arith.index_cast %multiple_of3A : i32 to index
      %get3A_372 = tpu.vector_load %arg7[%get3A_371] {strides = array<i32>} : memref<512xi32, #tpu.memory_space<vmem>>, vector<16xi32>,
      %mul3A_373 = arith.constant 16 : i32
      %mul3A_374 = arith.muli %scan3A_368, %mul3A_373 : i32
      %add3A_375 = vector.broadcast %mul3A_374 : i32 to vector<16xi32>
      %add3A_376 = arith.addi %iota3A, %add3A_375 : vector<16xi32>
      %mul3A_377 = arith.constant 8 : i32
      %mul3A_378 = vector.broadcast %mul3A_377 : i32 to vector<16xi32>
      %mul3A_379 = arith.muli %add3A_376, %mul3A_378 : vector<16xi32>
      tpu.vector_store_idx %arg8[%mul3A_379], %get3A_372 : memref<4096xi32, #tpu.memory_space<vmem>>[vector<16xi32>], vector<16xi32>,
      %get3A_380 = arith.index_cast %multiple_of3A : i32 to index
      %get3A_381 = tpu.vector_load %arg6[%get3A_380] {strides = array<i32>} : memref<512xi32, #tpu.memory_space<vmem>>, vector<16xi32>,
      %shift_right_arithmetic3A = arith.constant 7 : i32
      %shift_right_arithmetic3A_382 = vector.broadcast %shift_right_arithmetic3A : i32 to vector<16xi32>
      %shift_right_arithmetic3A_383 = arith.shrsi %get3A_381, %shift_right_arithmetic3A_382 : vector<16xi32>
      %mul3A_384 = arith.constant 128 : i32
      %mul3A_385 = vector.broadcast %mul3A_384 : i32 to vector<16xi32>
      %mul3A_386 = arith.muli %shift_right_arithmetic3A_383, %mul3A_385 : vector<16xi32>
      %mul3A_387 = arith.constant 16 : i32
      %mul3A_388 = arith.muli %scan3A_368, %mul3A_387 : i32
      %add3A_389 = arith.constant 0 : i32
      %add3A_390 = arith.addi %mul3A_388, %add3A_389 : i32
      %mul3A_391 = arith.constant 8 : i32
      %mul3A_392 = arith.muli %add3A_390, %mul3A_391 : i32
      %multiple_of3A_393 = tpu.assume_multiple %mul3A_392, 8 : i32
      %slice3A = vector.extract_strided_slice %mul3A_386 {offsets = [0], sizes = [1], strides = [1]} : vector<16xi32> to vector<1xi32>
      %squeeze3A = vector.extract %slice3A[0] : i32 from vector<1xi32>
      %multiple_of3A_394 = tpu.assume_multiple %squeeze3A, 128 : i32
      %dma_start3A_395 = arith.constant 0 : i32
      %dma_start3A_396 = tpu.memref_slice %arg9[%add3A_390, %dma_start3A_395] : memref<512x128xf32, #tpu.memory_space<vmem>> -> memref<1x128xf32, #tpu.memory_space<vmem>>
      %dma_start3A_397 = tpu.memref_slice %arg8[%multiple_of3A_393] : memref<4096xi32, #tpu.memory_space<vmem>> -> memref<1xi32, #tpu.memory_space<vmem>>
      %dma_start3A_398 = arith.constant 0 : i32
      %dma_start3A_399 = tpu.memref_slice %arg2[%dma_start3A_398, %multiple_of3A_394] : memref<1000x100000xf32, #tpu.memory_space<hbm>> -> memref<1000x128xf32, #tpu.memory_space<hbm>>
      tpu.enqueue_indirect_dma source(%dma_start3A_399 : memref<1000x128xf32, #tpu.memory_space<hbm>>) target(%dma_start3A_396 : memref<1x128xf32, #tpu.memory_space<vmem>>) offsets(%dma_start3A_397 : memref<1xi32, #tpu.memory_space<vmem>>) semaphore(%arg11 : memref<!tpu.dma_semaphore, #tpu.memory_space<semaphore_mem>>)
      %mul3A_400 = arith.constant 16 : i32
      %mul3A_401 = arith.muli %scan3A_368, %mul3A_400 : i32
      %add3A_402 = arith.constant 1 : i32
      %add3A_403 = arith.addi %mul3A_401, %add3A_402 : i32
      %mul3A_404 = arith.constant 8 : i32
      %mul3A_405 = arith.muli %add3A_403, %mul3A_404 : i32
      %multiple_of3A_406 = tpu.assume_multiple %mul3A_405, 8 : i32
      %slice3A_407 = vector.extract_strided_slice %mul3A_386 {offsets = [1], sizes = [1], strides = [1]} : vector<16xi32> to vector<1xi32>
      %squeeze3A_408 = vector.extract %slice3A_407[0] : i32 from vector<1xi32>
      %multiple_of3A_409 = tpu.assume_multiple %squeeze3A_408, 128 : i32
      %dma_start3A_410 = arith.constant 0 : i32
      %dma_start3A_411 = tpu.memref_slice %arg9[%add3A_403, %dma_start3A_410] : memref<512x128xf32, #tpu.memory_space<vmem>> -> memref<1x128xf32, #tpu.memory_space<vmem>>
      %dma_start3A_412 = tpu.memref_slice %arg8[%multiple_of3A_406] : memref<4096xi32, #tpu.memory_space<vmem>> -> memref<1xi32, #tpu.memory_space<vmem>>
      %dma_start3A_413 = arith.constant 0 : i32
      %dma_start3A_414 = tpu.memref_slice %arg2[%dma_start3A_413, %multiple_of3A_409] : memref<1000x100000xf32, #tpu.memory_space<hbm>> -> memref<1000x128xf32, #tpu.memory_space<hbm>>
      tpu.enqueue_indirect_dma source(%dma_start3A_414 : memref<1000x128xf32, #tpu.memory_space<hbm>>) target(%dma_start3A_411 : memref<1x128xf32, #tpu.memory_space<vmem>>) offsets(%dma_start3A_412 : memref<1xi32, #tpu.memory_space<vmem>>) semaphore(%arg11 : memref<!tpu.dma_semaphore, #tpu.memory_space<semaphore_mem>>)
      %mul3A_415 = arith.constant 16 : i32
      %mul3A_416 = arith.muli %scan3A_368, %mul3A_415 : i32
      %add3A_417 = arith.constant 2 : i32
      %add3A_418 = arith.addi %mul3A_416, %add3A_417 : i32
      %mul3A_419 = arith.constant 8 : i32
      %mul3A_420 = arith.muli %add3A_418, %mul3A_419 : i32
      %multiple_of3A_421 = tpu.assume_multiple %mul3A_420, 8 : i32
      %slice3A_422 = vector.extract_strided_slice %mul3A_386 {offsets = [2], sizes = [1], strides = [1]} : vector<16xi32> to vector<1xi32>
      %squeeze3A_423 = vector.extract %slice3A_422[0] : i32 from vector<1xi32>
      %multiple_of3A_424 = tpu.assume_multiple %squeeze3A_423, 128 : i32
      %dma_start3A_425 = arith.constant 0 : i32
      %dma_start3A_426 = tpu.memref_slice %arg9[%add3A_418, %dma_start3A_425] : memref<512x128xf32, #tpu.memory_space<vmem>> -> memref<1x128xf32, #tpu.memory_space<vmem>>
      %dma_start3A_427 = tpu.memref_slice %arg8[%multiple_of3A_421] : memref<4096xi32, #tpu.memory_space<vmem>> -> memref<1xi32, #tpu.memory_space<vmem>>
      %dma_start3A_428 = arith.constant 0 : i32
      %dma_start3A_429 = tpu.memref_slice %arg2[%dma_start3A_428, %multiple_of3A_424] : memref<1000x100000xf32, #tpu.memory_space<hbm>> -> memref<1000x128xf32, #tpu.memory_space<hbm>>
      tpu.enqueue_indirect_dma source(%dma_start3A_429 : memref<1000x128xf32, #tpu.memory_space<hbm>>) target(%dma_start3A_426 : memref<1x128xf32, #tpu.memory_space<vmem>>) offsets(%dma_start3A_427 : memref<1xi32, #tpu.memory_space<vmem>>) semaphore(%arg11 : memref<!tpu.dma_semaphore, #tpu.memory_space<semaphore_mem>>)
      %mul3A_430 = arith.constant 16 : i32
      %mul3A_431 = arith.muli %scan3A_368, %mul3A_430 : i32
      %add3A_432 = arith.constant 3 : i32
      %add3A_433 = arith.addi %mul3A_431, %add3A_432 : i32
      %mul3A_434 = arith.constant 8 : i32
      %mul3A_435 = arith.muli %add3A_433, %mul3A_434 : i32
      %multiple_of3A_436 = tpu.assume_multiple %mul3A_435, 8 : i32
      %slice3A_437 = vector.extract_strided_slice %mul3A_386 {offsets = [3], sizes = [1], strides = [1]} : vector<16xi32> to vector<1xi32>
      %squeeze3A_438 = vector.extract %slice3A_437[0] : i32 from vector<1xi32>
      %multiple_of3A_439 = tpu.assume_multiple %squeeze3A_438, 128 : i32
      %dma_start3A_440 = arith.constant 0 : i32
      %dma_start3A_441 = tpu.memref_slice %arg9[%add3A_433, %dma_start3A_440] : memref<512x128xf32, #tpu.memory_space<vmem>> -> memref<1x128xf32, #tpu.memory_space<vmem>>
      %dma_start3A_442 = tpu.memref_slice %arg8[%multiple_of3A_436] : memref<4096xi32, #tpu.memory_space<vmem>> -> memref<1xi32, #tpu.memory_space<vmem>>
      %dma_start3A_443 = arith.constant 0 : i32
      %dma_start3A_444 = tpu.memref_slice %arg2[%dma_start3A_443, %multiple_of3A_439] : memref<1000x100000xf32, #tpu.memory_space<hbm>> -> memref<1000x128xf32, #tpu.memory_space<hbm>>
      tpu.enqueue_indirect_dma source(%dma_start3A_444 : memref<1000x128xf32, #tpu.memory_space<hbm>>) target(%dma_start3A_441 : memref<1x128xf32, #tpu.memory_space<vmem>>) offsets(%dma_start3A_442 : memref<1xi32, #tpu.memory_space<vmem>>) semaphore(%arg11 : memref<!tpu.dma_semaphore, #tpu.memory_space<semaphore_mem>>)
      %mul3A_445 = arith.constant 16 : i32
      %mul3A_446 = arith.muli %scan3A_368, %mul3A_445 : i32
      %add3A_447 = arith.constant 4 : i32
      %add3A_448 = arith.addi %mul3A_446, %add3A_447 : i32
      %mul3A_449 = arith.constant 8 : i32
      %mul3A_450 = arith.muli %add3A_448, %mul3A_449 : i32
      %multiple_of3A_451 = tpu.assume_multiple %mul3A_450, 8 : i32
      %slice3A_452 = vector.extract_strided_slice %mul3A_386 {offsets = [4], sizes = [1], strides = [1]} : vector<16xi32> to vector<1xi32>
      %squeeze3A_453 = vector.extract %slice3A_452[0] : i32 from vector<1xi32>
      %multiple_of3A_454 = tpu.assume_multiple %squeeze3A_453, 128 : i32
      %dma_start3A_455 = arith.constant 0 : i32
      %dma_start3A_456 = tpu.memref_slice %arg9[%add3A_448, %dma_start3A_455] : memref<512x128xf32, #tpu.memory_space<vmem>> -> memref<1x128xf32, #tpu.memory_space<vmem>>
      %dma_start3A_457 = tpu.memref_slice %arg8[%multiple_of3A_451] : memref<4096xi32, #tpu.memory_space<vmem>> -> memref<1xi32, #tpu.memory_space<vmem>>
      %dma_start3A_458 = arith.constant 0 : i32
      %dma_start3A_459 = tpu.memref_slice %arg2[%dma_start3A_458, %multiple_of3A_454] : memref<1000x100000xf32, #tpu.memory_space<hbm>> -> memref<1000x128xf32, #tpu.memory_space<hbm>>
      tpu.enqueue_indirect_dma source(%dma_start3A_459 : memref<1000x128xf32, #tpu.memory_space<hbm>>) target(%dma_start3A_456 : memref<1x128xf32, #tpu.memory_space<vmem>>) offsets(%dma_start3A_457 : memref<1xi32, #tpu.memory_space<vmem>>) semaphore(%arg11 : memref<!tpu.dma_semaphore, #tpu.memory_space<semaphore_mem>>)
      %mul3A_460 = arith.constant 16 : i32
      %mul3A_461 = arith.muli %scan3A_368, %mul3A_460 : i32
      %add3A_462 = arith.constant 5 : i32
      %add3A_463 = arith.addi %mul3A_461, %add3A_462 : i32
      %mul3A_464 = arith.constant 8 : i32
      %mul3A_465 = arith.muli %add3A_463, %mul3A_464 : i32
      %multiple_of3A_466 = tpu.assume_multiple %mul3A_465, 8 : i32
      %slice3A_467 = vector.extract_strided_slice %mul3A_386 {offsets = [5], sizes = [1], strides = [1]} : vector<16xi32> to vector<1xi32>
      %squeeze3A_468 = vector.extract %slice3A_467[0] : i32 from vector<1xi32>
      %multiple_of3A_469 = tpu.assume_multiple %squeeze3A_468, 128 : i32
      %dma_start3A_470 = arith.constant 0 : i32
      %dma_start3A_471 = tpu.memref_slice %arg9[%add3A_463, %dma_start3A_470] : memref<512x128xf32, #tpu.memory_space<vmem>> -> memref<1x128xf32, #tpu.memory_space<vmem>>
      %dma_start3A_472 = tpu.memref_slice %arg8[%multiple_of3A_466] : memref<4096xi32, #tpu.memory_space<vmem>> -> memref<1xi32, #tpu.memory_space<vmem>>
      %dma_start3A_473 = arith.constant 0 : i32
      %dma_start3A_474 = tpu.memref_slice %arg2[%dma_start3A_473, %multiple_of3A_469] : memref<1000x100000xf32, #tpu.memory_space<hbm>> -> memref<1000x128xf32, #tpu.memory_space<hbm>>
      tpu.enqueue_indirect_dma source(%dma_start3A_474 : memref<1000x128xf32, #tpu.memory_space<hbm>>) target(%dma_start3A_471 : memref<1x128xf32, #tpu.memory_space<vmem>>) offsets(%dma_start3A_472 : memref<1xi32, #tpu.memory_space<vmem>>) semaphore(%arg11 : memref<!tpu.dma_semaphore, #tpu.memory_space<semaphore_mem>>)
      %mul3A_475 = arith.constant 16 : i32
      %mul3A_476 = arith.muli %scan3A_368, %mul3A_475 : i32
      %add3A_477 = arith.constant 6 : i32
      %add3A_478 = arith.addi %mul3A_476, %add3A_477 : i32
      %mul3A_479 = arith.constant 8 : i32
      %mul3A_480 = arith.muli %add3A_478, %mul3A_479 : i32
      %multiple_of3A_481 = tpu.assume_multiple %mul3A_480, 8 : i32
      %slice3A_482 = vector.extract_strided_slice %mul3A_386 {offsets = [6], sizes = [1], strides = [1]} : vector<16xi32> to vector<1xi32>
      %squeeze3A_483 = vector.extract %slice3A_482[0] : i32 from vector<1xi32>
      %multiple_of3A_484 = tpu.assume_multiple %squeeze3A_483, 128 : i32
      %dma_start3A_485 = arith.constant 0 : i32
      %dma_start3A_486 = tpu.memref_slice %arg9[%add3A_478, %dma_start3A_485] : memref<512x128xf32, #tpu.memory_space<vmem>> -> memref<1x128xf32, #tpu.memory_space<vmem>>
      %dma_start3A_487 = tpu.memref_slice %arg8[%multiple_of3A_481] : memref<4096xi32, #tpu.memory_space<vmem>> -> memref<1xi32, #tpu.memory_space<vmem>>
      %dma_start3A_488 = arith.constant 0 : i32
      %dma_start3A_489 = tpu.memref_slice %arg2[%dma_start3A_488, %multiple_of3A_484] : memref<1000x100000xf32, #tpu.memory_space<hbm>> -> memref<1000x128xf32, #tpu.memory_space<hbm>>
      tpu.enqueue_indirect_dma source(%dma_start3A_489 : memref<1000x128xf32, #tpu.memory_space<hbm>>) target(%dma_start3A_486 : memref<1x128xf32, #tpu.memory_space<vmem>>) offsets(%dma_start3A_487 : memref<1xi32, #tpu.memory_space<vmem>>) semaphore(%arg11 : memref<!tpu.dma_semaphore, #tpu.memory_space<semaphore_mem>>)
      %mul3A_490 = arith.constant 16 : i32
      %mul3A_491 = arith.muli %scan3A_368, %mul3A_490 : i32
      %add3A_492 = arith.constant 7 : i32
      %add3A_493 = arith.addi %mul3A_491, %add3A_492 : i32
      %mul3A_494 = arith.constant 8 : i32
      %mul3A_495 = arith.muli %add3A_493, %mul3A_494 : i32
      %multiple_of3A_496 = tpu.assume_multiple %mul3A_495, 8 : i32
      %slice3A_497 = vector.extract_strided_slice %mul3A_386 {offsets = [7], sizes = [1], strides = [1]} : vector<16xi32> to vector<1xi32>
      %squeeze3A_498 = vector.extract %slice3A_497[0] : i32 from vector<1xi32>
      %multiple_of3A_499 = tpu.assume_multiple %squeeze3A_498, 128 : i32
      %dma_start3A_500 = arith.constant 0 : i32
      %dma_start3A_501 = tpu.memref_slice %arg9[%add3A_493, %dma_start3A_500] : memref<512x128xf32, #tpu.memory_space<vmem>> -> memref<1x128xf32, #tpu.memory_space<vmem>>
      %dma_start3A_502 = tpu.memref_slice %arg8[%multiple_of3A_496] : memref<4096xi32, #tpu.memory_space<vmem>> -> memref<1xi32, #tpu.memory_space<vmem>>
      %dma_start3A_503 = arith.constant 0 : i32
      %dma_start3A_504 = tpu.memref_slice %arg2[%dma_start3A_503, %multiple_of3A_499] : memref<1000x100000xf32, #tpu.memory_space<hbm>> -> memref<1000x128xf32, #tpu.memory_space<hbm>>
      tpu.enqueue_indirect_dma source(%dma_start3A_504 : memref<1000x128xf32, #tpu.memory_space<hbm>>) target(%dma_start3A_501 : memref<1x128xf32, #tpu.memory_space<vmem>>) offsets(%dma_start3A_502 : memref<1xi32, #tpu.memory_space<vmem>>) semaphore(%arg11 : memref<!tpu.dma_semaphore, #tpu.memory_space<semaphore_mem>>)
      %mul3A_505 = arith.constant 16 : i32
      %mul3A_506 = arith.muli %scan3A_368, %mul3A_505 : i32
      %add3A_507 = arith.constant 8 : i32
      %add3A_508 = arith.addi %mul3A_506, %add3A_507 : i32
      %mul3A_509 = arith.constant 8 : i32
      %mul3A_510 = arith.muli %add3A_508, %mul3A_509 : i32
      %multiple_of3A_511 = tpu.assume_multiple %mul3A_510, 8 : i32
      %slice3A_512 = vector.extract_strided_slice %mul3A_386 {offsets = [8], sizes = [1], strides = [1]} : vector<16xi32> to vector<1xi32>
      %squeeze3A_513 = vector.extract %slice3A_512[0] : i32 from vector<1xi32>
      %multiple_of3A_514 = tpu.assume_multiple %squeeze3A_513, 128 : i32
      %dma_start3A_515 = arith.constant 0 : i32
      %dma_start3A_516 = tpu.memref_slice %arg9[%add3A_508, %dma_start3A_515] : memref<512x128xf32, #tpu.memory_space<vmem>> -> memref<1x128xf32, #tpu.memory_space<vmem>>
      %dma_start3A_517 = tpu.memref_slice %arg8[%multiple_of3A_511] : memref<4096xi32, #tpu.memory_space<vmem>> -> memref<1xi32, #tpu.memory_space<vmem>>
      %dma_start3A_518 = arith.constant 0 : i32
      %dma_start3A_519 = tpu.memref_slice %arg2[%dma_start3A_518, %multiple_of3A_514] : memref<1000x100000xf32, #tpu.memory_space<hbm>> -> memref<1000x128xf32, #tpu.memory_space<hbm>>
      tpu.enqueue_indirect_dma source(%dma_start3A_519 : memref<1000x128xf32, #tpu.memory_space<hbm>>) target(%dma_start3A_516 : memref<1x128xf32, #tpu.memory_space<vmem>>) offsets(%dma_start3A_517 : memref<1xi32, #tpu.memory_space<vmem>>) semaphore(%arg11 : memref<!tpu.dma_semaphore, #tpu.memory_space<semaphore_mem>>)
      %mul3A_520 = arith.constant 16 : i32
      %mul3A_521 = arith.muli %scan3A_368, %mul3A_520 : i32
      %add3A_522 = arith.constant 9 : i32
      %add3A_523 = arith.addi %mul3A_521, %add3A_522 : i32
      %mul3A_524 = arith.constant 8 : i32
      %mul3A_525 = arith.muli %add3A_523, %mul3A_524 : i32
      %multiple_of3A_526 = tpu.assume_multiple %mul3A_525, 8 : i32
      %slice3A_527 = vector.extract_strided_slice %mul3A_386 {offsets = [9], sizes = [1], strides = [1]} : vector<16xi32> to vector<1xi32>
      %squeeze3A_528 = vector.extract %slice3A_527[0] : i32 from vector<1xi32>
      %multiple_of3A_529 = tpu.assume_multiple %squeeze3A_528, 128 : i32
      %dma_start3A_530 = arith.constant 0 : i32
      %dma_start3A_531 = tpu.memref_slice %arg9[%add3A_523, %dma_start3A_530] : memref<512x128xf32, #tpu.memory_space<vmem>> -> memref<1x128xf32, #tpu.memory_space<vmem>>
      %dma_start3A_532 = tpu.memref_slice %arg8[%multiple_of3A_526] : memref<4096xi32, #tpu.memory_space<vmem>> -> memref<1xi32, #tpu.memory_space<vmem>>
      %dma_start3A_533 = arith.constant 0 : i32
      %dma_start3A_534 = tpu.memref_slice %arg2[%dma_start3A_533, %multiple_of3A_529] : memref<1000x100000xf32, #tpu.memory_space<hbm>> -> memref<1000x128xf32, #tpu.memory_space<hbm>>
      tpu.enqueue_indirect_dma source(%dma_start3A_534 : memref<1000x128xf32, #tpu.memory_space<hbm>>) target(%dma_start3A_531 : memref<1x128xf32, #tpu.memory_space<vmem>>) offsets(%dma_start3A_532 : memref<1xi32, #tpu.memory_space<vmem>>) semaphore(%arg11 : memref<!tpu.dma_semaphore, #tpu.memory_space<semaphore_mem>>)
      %mul3A_535 = arith.constant 16 : i32
      %mul3A_536 = arith.muli %scan3A_368, %mul3A_535 : i32
      %add3A_537 = arith.constant 10 : i32
      %add3A_538 = arith.addi %mul3A_536, %add3A_537 : i32
      %mul3A_539 = arith.constant 8 : i32
      %mul3A_540 = arith.muli %add3A_538, %mul3A_539 : i32
      %multiple_of3A_541 = tpu.assume_multiple %mul3A_540, 8 : i32
      %slice3A_542 = vector.extract_strided_slice %mul3A_386 {offsets = [10], sizes = [1], strides = [1]} : vector<16xi32> to vector<1xi32>
      %squeeze3A_543 = vector.extract %slice3A_542[0] : i32 from vector<1xi32>
      %multiple_of3A_544 = tpu.assume_multiple %squeeze3A_543, 128 : i32
      %dma_start3A_545 = arith.constant 0 : i32
      %dma_start3A_546 = tpu.memref_slice %arg9[%add3A_538, %dma_start3A_545] : memref<512x128xf32, #tpu.memory_space<vmem>> -> memref<1x128xf32, #tpu.memory_space<vmem>>
      %dma_start3A_547 = tpu.memref_slice %arg8[%multiple_of3A_541] : memref<4096xi32, #tpu.memory_space<vmem>> -> memref<1xi32, #tpu.memory_space<vmem>>
      %dma_start3A_548 = arith.constant 0 : i32
      %dma_start3A_549 = tpu.memref_slice %arg2[%dma_start3A_548, %multiple_of3A_544] : memref<1000x100000xf32, #tpu.memory_space<hbm>> -> memref<1000x128xf32, #tpu.memory_space<hbm>>
      tpu.enqueue_indirect_dma source(%dma_start3A_549 : memref<1000x128xf32, #tpu.memory_space<hbm>>) target(%dma_start3A_546 : memref<1x128xf32, #tpu.memory_space<vmem>>) offsets(%dma_start3A_547 : memref<1xi32, #tpu.memory_space<vmem>>) semaphore(%arg11 : memref<!tpu.dma_semaphore, #tpu.memory_space<semaphore_mem>>)
      %mul3A_550 = arith.constant 16 : i32
      %mul3A_551 = arith.muli %scan3A_368, %mul3A_550 : i32
      %add3A_552 = arith.constant 11 : i32
      %add3A_553 = arith.addi %mul3A_551, %add3A_552 : i32
      %mul3A_554 = arith.constant 8 : i32
      %mul3A_555 = arith.muli %add3A_553, %mul3A_554 : i32
      %multiple_of3A_556 = tpu.assume_multiple %mul3A_555, 8 : i32
      %slice3A_557 = vector.extract_strided_slice %mul3A_386 {offsets = [11], sizes = [1], strides = [1]} : vector<16xi32> to vector<1xi32>
      %squeeze3A_558 = vector.extract %slice3A_557[0] : i32 from vector<1xi32>
      %multiple_of3A_559 = tpu.assume_multiple %squeeze3A_558, 128 : i32
      %dma_start3A_560 = arith.constant 0 : i32
      %dma_start3A_561 = tpu.memref_slice %arg9[%add3A_553, %dma_start3A_560] : memref<512x128xf32, #tpu.memory_space<vmem>> -> memref<1x128xf32, #tpu.memory_space<vmem>>
      %dma_start3A_562 = tpu.memref_slice %arg8[%multiple_of3A_556] : memref<4096xi32, #tpu.memory_space<vmem>> -> memref<1xi32, #tpu.memory_space<vmem>>
      %dma_start3A_563 = arith.constant 0 : i32
      %dma_start3A_564 = tpu.memref_slice %arg2[%dma_start3A_563, %multiple_of3A_559] : memref<1000x100000xf32, #tpu.memory_space<hbm>> -> memref<1000x128xf32, #tpu.memory_space<hbm>>
      tpu.enqueue_indirect_dma source(%dma_start3A_564 : memref<1000x128xf32, #tpu.memory_space<hbm>>) target(%dma_start3A_561 : memref<1x128xf32, #tpu.memory_space<vmem>>) offsets(%dma_start3A_562 : memref<1xi32, #tpu.memory_space<vmem>>) semaphore(%arg11 : memref<!tpu.dma_semaphore, #tpu.memory_space<semaphore_mem>>)
      %mul3A_565 = arith.constant 16 : i32
      %mul3A_566 = arith.muli %scan3A_368, %mul3A_565 : i32
      %add3A_567 = arith.constant 12 : i32
      %add3A_568 = arith.addi %mul3A_566, %add3A_567 : i32
      %mul3A_569 = arith.constant 8 : i32
      %mul3A_570 = arith.muli %add3A_568, %mul3A_569 : i32
      %multiple_of3A_571 = tpu.assume_multiple %mul3A_570, 8 : i32
      %slice3A_572 = vector.extract_strided_slice %mul3A_386 {offsets = [12], sizes = [1], strides = [1]} : vector<16xi32> to vector<1xi32>
      %squeeze3A_573 = vector.extract %slice3A_572[0] : i32 from vector<1xi32>
      %multiple_of3A_574 = tpu.assume_multiple %squeeze3A_573, 128 : i32
      %dma_start3A_575 = arith.constant 0 : i32
      %dma_start3A_576 = tpu.memref_slice %arg9[%add3A_568, %dma_start3A_575] : memref<512x128xf32, #tpu.memory_space<vmem>> -> memref<1x128xf32, #tpu.memory_space<vmem>>
      %dma_start3A_577 = tpu.memref_slice %arg8[%multiple_of3A_571] : memref<4096xi32, #tpu.memory_space<vmem>> -> memref<1xi32, #tpu.memory_space<vmem>>
      %dma_start3A_578 = arith.constant 0 : i32
      %dma_start3A_579 = tpu.memref_slice %arg2[%dma_start3A_578, %multiple_of3A_574] : memref<1000x100000xf32, #tpu.memory_space<hbm>> -> memref<1000x128xf32, #tpu.memory_space<hbm>>
      tpu.enqueue_indirect_dma source(%dma_start3A_579 : memref<1000x128xf32, #tpu.memory_space<hbm>>) target(%dma_start3A_576 : memref<1x128xf32, #tpu.memory_space<vmem>>) offsets(%dma_start3A_577 : memref<1xi32, #tpu.memory_space<vmem>>) semaphore(%arg11 : memref<!tpu.dma_semaphore, #tpu.memory_space<semaphore_mem>>)
      %mul3A_580 = arith.constant 16 : i32
      %mul3A_581 = arith.muli %scan3A_368, %mul3A_580 : i32
      %add3A_582 = arith.constant 13 : i32
      %add3A_583 = arith.addi %mul3A_581, %add3A_582 : i32
      %mul3A_584 = arith.constant 8 : i32
      %mul3A_585 = arith.muli %add3A_583, %mul3A_584 : i32
      %multiple_of3A_586 = tpu.assume_multiple %mul3A_585, 8 : i32
      %slice3A_587 = vector.extract_strided_slice %mul3A_386 {offsets = [13], sizes = [1], strides = [1]} : vector<16xi32> to vector<1xi32>
      %squeeze3A_588 = vector.extract %slice3A_587[0] : i32 from vector<1xi32>
      %multiple_of3A_589 = tpu.assume_multiple %squeeze3A_588, 128 : i32
      %dma_start3A_590 = arith.constant 0 : i32
      %dma_start3A_591 = tpu.memref_slice %arg9[%add3A_583, %dma_start3A_590] : memref<512x128xf32, #tpu.memory_space<vmem>> -> memref<1x128xf32, #tpu.memory_space<vmem>>
      %dma_start3A_592 = tpu.memref_slice %arg8[%multiple_of3A_586] : memref<4096xi32, #tpu.memory_space<vmem>> -> memref<1xi32, #tpu.memory_space<vmem>>
      %dma_start3A_593 = arith.constant 0 : i32
      %dma_start3A_594 = tpu.memref_slice %arg2[%dma_start3A_593, %multiple_of3A_589] : memref<1000x100000xf32, #tpu.memory_space<hbm>> -> memref<1000x128xf32, #tpu.memory_space<hbm>>
      tpu.enqueue_indirect_dma source(%dma_start3A_594 : memref<1000x128xf32, #tpu.memory_space<hbm>>) target(%dma_start3A_591 : memref<1x128xf32, #tpu.memory_space<vmem>>) offsets(%dma_start3A_592 : memref<1xi32, #tpu.memory_space<vmem>>) semaphore(%arg11 : memref<!tpu.dma_semaphore, #tpu.memory_space<semaphore_mem>>)
      %mul3A_595 = arith.constant 16 : i32
      %mul3A_596 = arith.muli %scan3A_368, %mul3A_595 : i32
      %add3A_597 = arith.constant 14 : i32
      %add3A_598 = arith.addi %mul3A_596, %add3A_597 : i32
      %mul3A_599 = arith.constant 8 : i32
      %mul3A_600 = arith.muli %add3A_598, %mul3A_599 : i32
      %multiple_of3A_601 = tpu.assume_multiple %mul3A_600, 8 : i32
      %slice3A_602 = vector.extract_strided_slice %mul3A_386 {offsets = [14], sizes = [1], strides = [1]} : vector<16xi32> to vector<1xi32>
      %squeeze3A_603 = vector.extract %slice3A_602[0] : i32 from vector<1xi32>
      %multiple_of3A_604 = tpu.assume_multiple %squeeze3A_603, 128 : i32
      %dma_start3A_605 = arith.constant 0 : i32
      %dma_start3A_606 = tpu.memref_slice %arg9[%add3A_598, %dma_start3A_605] : memref<512x128xf32, #tpu.memory_space<vmem>> -> memref<1x128xf32, #tpu.memory_space<vmem>>
      %dma_start3A_607 = tpu.memref_slice %arg8[%multiple_of3A_601] : memref<4096xi32, #tpu.memory_space<vmem>> -> memref<1xi32, #tpu.memory_space<vmem>>
      %dma_start3A_608 = arith.constant 0 : i32
      %dma_start3A_609 = tpu.memref_slice %arg2[%dma_start3A_608, %multiple_of3A_604] : memref<1000x100000xf32, #tpu.memory_space<hbm>> -> memref<1000x128xf32, #tpu.memory_space<hbm>>
      tpu.enqueue_indirect_dma source(%dma_start3A_609 : memref<1000x128xf32, #tpu.memory_space<hbm>>) target(%dma_start3A_606 : memref<1x128xf32, #tpu.memory_space<vmem>>) offsets(%dma_start3A_607 : memref<1xi32, #tpu.memory_space<vmem>>) semaphore(%arg11 : memref<!tpu.dma_semaphore, #tpu.memory_space<semaphore_mem>>)
      %mul3A_610 = arith.constant 16 : i32
      %mul3A_611 = arith.muli %scan3A_368, %mul3A_610 : i32
      %add3A_612 = arith.constant 15 : i32
      %add3A_613 = arith.addi %mul3A_611, %add3A_612 : i32
      %mul3A_614 = arith.constant 8 : i32
      %mul3A_615 = arith.muli %add3A_613, %mul3A_614 : i32
      %multiple_of3A_616 = tpu.assume_multiple %mul3A_615, 8 : i32
      %slice3A_617 = vector.extract_strided_slice %mul3A_386 {offsets = [15], sizes = [1], strides = [1]} : vector<16xi32> to vector<1xi32>
      %squeeze3A_618 = vector.extract %slice3A_617[0] : i32 from vector<1xi32>
      %multiple_of3A_619 = tpu.assume_multiple %squeeze3A_618, 128 : i32
      %dma_start3A_620 = arith.constant 0 : i32
      %dma_start3A_621 = tpu.memref_slice %arg9[%add3A_613, %dma_start3A_620] : memref<512x128xf32, #tpu.memory_space<vmem>> -> memref<1x128xf32, #tpu.memory_space<vmem>>
      %dma_start3A_622 = tpu.memref_slice %arg8[%multiple_of3A_616] : memref<4096xi32, #tpu.memory_space<vmem>> -> memref<1xi32, #tpu.memory_space<vmem>>
      %dma_start3A_623 = arith.constant 0 : i32
      %dma_start3A_624 = tpu.memref_slice %arg2[%dma_start3A_623, %multiple_of3A_619] : memref<1000x100000xf32, #tpu.memory_space<hbm>> -> memref<1000x128xf32, #tpu.memory_space<hbm>>
      tpu.enqueue_indirect_dma source(%dma_start3A_624 : memref<1000x128xf32, #tpu.memory_space<hbm>>) target(%dma_start3A_621 : memref<1x128xf32, #tpu.memory_space<vmem>>) offsets(%dma_start3A_622 : memref<1xi32, #tpu.memory_space<vmem>>) semaphore(%arg11 : memref<!tpu.dma_semaphore, #tpu.memory_space<semaphore_mem>>)
    }
    %scan3A_13 = arith.constant 32 : i32
    %dma_wait3A_14 = arith.constant 0 : i32
    %dma_wait3A_15 = arith.constant 0 : i32
    %dma_wait3A_16 = tpu.memref_slice %arg2[%dma_wait3A_14, %dma_wait3A_15] : memref<1000x100000xf32, #tpu.memory_space<hbm>> -> memref<512x128xf32, #tpu.memory_space<hbm>>
    %dma_wait3A_17 = arith.constant 0 : i32
    %dma_wait3A_18 = arith.constant 0 : i32
    %dma_wait3A_19 = tpu.memref_slice %arg2[%dma_wait3A_17, %dma_wait3A_18] : memref<1000x100000xf32, #tpu.memory_space<hbm>> -> memref<512x128xf32, #tpu.memory_space<hbm>>
    tpu.wait_dma2 semaphore(%arg11 : memref<!tpu.dma_semaphore, #tpu.memory_space<semaphore_mem>>) src(%dma_wait3A_19 : memref<512x128xf32, #tpu.memory_space<hbm>>) dst(%arg9 : memref<512x128xf32, #tpu.memory_space<vmem>>)
    %add3A_20 = arith.constant 0 : i32
    %add3A_21 = vector.broadcast %add3A_20 : i32 to vector<16xi32>
    %add3A_22 = arith.addi %iota3A, %add3A_21 : vector<16xi32>
    %get3A = arith.constant 0 : index
    %get3A_23 = tpu.vector_load %arg6[%get3A] {strides = array<i32>} : memref<512xi32, #tpu.memory_space<vmem>>, vector<16xi32>,
    %and3A = arith.constant 127 : i32
    %and3A_24 = vector.broadcast %and3A : i32 to vector<16xi32>
    %and3A_25 = arith.andi %get3A_23, %and3A_24 : vector<16xi32>
    %gather3A = tpu.vector_load_idx %arg9[%add3A_22, %and3A_25] : memref<512x128xf32, #tpu.memory_space<vmem>>[vector<16xi32>, vector<16xi32>], vector<16xf32>,
    %swap3A = arith.constant 0 : index
    %swap3A_26 = tpu.vector_load %arg10[%swap3A] {strides = array<i32>} : memref<512xf32, #tpu.memory_space<vmem>>, vector<16xf32>,
    tpu.vector_store %arg10[%swap3A], %gather3A {strides = array<i32>} : memref<512xf32, #tpu.memory_space<vmem>>, vector<16xf32>,
    %add3A_27 = arith.constant 16 : i32
    %add3A_28 = vector.broadcast %add3A_27 : i32 to vector<16xi32>
    %add3A_29 = arith.addi %iota3A, %add3A_28 : vector<16xi32>
    %get3A_30 = arith.constant 16 : index
    %get3A_31 = tpu.vector_load %arg6[%get3A_30] {strides = array<i32>} : memref<512xi32, #tpu.memory_space<vmem>>, vector<16xi32>,
    %and3A_32 = arith.constant 127 : i32
    %and3A_33 = vector.broadcast %and3A_32 : i32 to vector<16xi32>
    %and3A_34 = arith.andi %get3A_31, %and3A_33 : vector<16xi32>
    %gather3A_35 = tpu.vector_load_idx %arg9[%add3A_29, %and3A_34] : memref<512x128xf32, #tpu.memory_space<vmem>>[vector<16xi32>, vector<16xi32>], vector<16xf32>,
    %swap3A_36 = arith.constant 16 : index
    %swap3A_37 = tpu.vector_load %arg10[%swap3A_36] {strides = array<i32>} : memref<512xf32, #tpu.memory_space<vmem>>, vector<16xf32>,
    tpu.vector_store %arg10[%swap3A_36], %gather3A_35 {strides = array<i32>} : memref<512xf32, #tpu.memory_space<vmem>>, vector<16xf32>,
    %add3A_38 = arith.constant 32 : i32
    %add3A_39 = vector.broadcast %add3A_38 : i32 to vector<16xi32>
    %add3A_40 = arith.addi %iota3A, %add3A_39 : vector<16xi32>
    %get3A_41 = arith.constant 32 : index
    %get3A_42 = tpu.vector_load %arg6[%get3A_41] {strides = array<i32>} : memref<512xi32, #tpu.memory_space<vmem>>, vector<16xi32>,
    %and3A_43 = arith.constant 127 : i32
    %and3A_44 = vector.broadcast %and3A_43 : i32 to vector<16xi32>
    %and3A_45 = arith.andi %get3A_42, %and3A_44 : vector<16xi32>
    %gather3A_46 = tpu.vector_load_idx %arg9[%add3A_40, %and3A_45] : memref<512x128xf32, #tpu.memory_space<vmem>>[vector<16xi32>, vector<16xi32>], vector<16xf32>,
    %swap3A_47 = arith.constant 32 : index
    %swap3A_48 = tpu.vector_load %arg10[%swap3A_47] {strides = array<i32>} : memref<512xf32, #tpu.memory_space<vmem>>, vector<16xf32>,
    tpu.vector_store %arg10[%swap3A_47], %gather3A_46 {strides = array<i32>} : memref<512xf32, #tpu.memory_space<vmem>>, vector<16xf32>,
    %add3A_49 = arith.constant 48 : i32
    %add3A_50 = vector.broadcast %add3A_49 : i32 to vector<16xi32>
    %add3A_51 = arith.addi %iota3A, %add3A_50 : vector<16xi32>
    %get3A_52 = arith.constant 48 : index
    %get3A_53 = tpu.vector_load %arg6[%get3A_52] {strides = array<i32>} : memref<512xi32, #tpu.memory_space<vmem>>, vector<16xi32>,
    %and3A_54 = arith.constant 127 : i32
    %and3A_55 = vector.broadcast %and3A_54 : i32 to vector<16xi32>
    %and3A_56 = arith.andi %get3A_53, %and3A_55 : vector<16xi32>
    %gather3A_57 = tpu.vector_load_idx %arg9[%add3A_51, %and3A_56] : memref<512x128xf32, #tpu.memory_space<vmem>>[vector<16xi32>, vector<16xi32>], vector<16xf32>,
    %swap3A_58 = arith.constant 48 : index
    %swap3A_59 = tpu.vector_load %arg10[%swap3A_58] {strides = array<i32>} : memref<512xf32, #tpu.memory_space<vmem>>, vector<16xf32>,
    tpu.vector_store %arg10[%swap3A_58], %gather3A_57 {strides = array<i32>} : memref<512xf32, #tpu.memory_space<vmem>>, vector<16xf32>,
    %add3A_60 = arith.constant 64 : i32
    %add3A_61 = vector.broadcast %add3A_60 : i32 to vector<16xi32>
    %add3A_62 = arith.addi %iota3A, %add3A_61 : vector<16xi32>
    %get3A_63 = arith.constant 64 : index
    %get3A_64 = tpu.vector_load %arg6[%get3A_63] {strides = array<i32>} : memref<512xi32, #tpu.memory_space<vmem>>, vector<16xi32>,
    %and3A_65 = arith.constant 127 : i32
    %and3A_66 = vector.broadcast %and3A_65 : i32 to vector<16xi32>
    %and3A_67 = arith.andi %get3A_64, %and3A_66 : vector<16xi32>
    %gather3A_68 = tpu.vector_load_idx %arg9[%add3A_62, %and3A_67] : memref<512x128xf32, #tpu.memory_space<vmem>>[vector<16xi32>, vector<16xi32>], vector<16xf32>,
    %swap3A_69 = arith.constant 64 : index
    %swap3A_70 = tpu.vector_load %arg10[%swap3A_69] {strides = array<i32>} : memref<512xf32, #tpu.memory_space<vmem>>, vector<16xf32>,
    tpu.vector_store %arg10[%swap3A_69], %gather3A_68 {strides = array<i32>} : memref<512xf32, #tpu.memory_space<vmem>>, vector<16xf32>,
    %add3A_71 = arith.constant 80 : i32
    %add3A_72 = vector.broadcast %add3A_71 : i32 to vector<16xi32>
    %add3A_73 = arith.addi %iota3A, %add3A_72 : vector<16xi32>
    %get3A_74 = arith.constant 80 : index
    %get3A_75 = tpu.vector_load %arg6[%get3A_74] {strides = array<i32>} : memref<512xi32, #tpu.memory_space<vmem>>, vector<16xi32>,
    %and3A_76 = arith.constant 127 : i32
    %and3A_77 = vector.broadcast %and3A_76 : i32 to vector<16xi32>
    %and3A_78 = arith.andi %get3A_75, %and3A_77 : vector<16xi32>
    %gather3A_79 = tpu.vector_load_idx %arg9[%add3A_73, %and3A_78] : memref<512x128xf32, #tpu.memory_space<vmem>>[vector<16xi32>, vector<16xi32>], vector<16xf32>,
    %swap3A_80 = arith.constant 80 : index
    %swap3A_81 = tpu.vector_load %arg10[%swap3A_80] {strides = array<i32>} : memref<512xf32, #tpu.memory_space<vmem>>, vector<16xf32>,
    tpu.vector_store %arg10[%swap3A_80], %gather3A_79 {strides = array<i32>} : memref<512xf32, #tpu.memory_space<vmem>>, vector<16xf32>,
    %add3A_82 = arith.constant 96 : i32
    %add3A_83 = vector.broadcast %add3A_82 : i32 to vector<16xi32>
    %add3A_84 = arith.addi %iota3A, %add3A_83 : vector<16xi32>
    %get3A_85 = arith.constant 96 : index
    %get3A_86 = tpu.vector_load %arg6[%get3A_85] {strides = array<i32>} : memref<512xi32, #tpu.memory_space<vmem>>, vector<16xi32>,
    %and3A_87 = arith.constant 127 : i32
    %and3A_88 = vector.broadcast %and3A_87 : i32 to vector<16xi32>
    %and3A_89 = arith.andi %get3A_86, %and3A_88 : vector<16xi32>
    %gather3A_90 = tpu.vector_load_idx %arg9[%add3A_84, %and3A_89] : memref<512x128xf32, #tpu.memory_space<vmem>>[vector<16xi32>, vector<16xi32>], vector<16xf32>,
    %swap3A_91 = arith.constant 96 : index
    %swap3A_92 = tpu.vector_load %arg10[%swap3A_91] {strides = array<i32>} : memref<512xf32, #tpu.memory_space<vmem>>, vector<16xf32>,
    tpu.vector_store %arg10[%swap3A_91], %gather3A_90 {strides = array<i32>} : memref<512xf32, #tpu.memory_space<vmem>>, vector<16xf32>,
    %add3A_93 = arith.constant 112 : i32
    %add3A_94 = vector.broadcast %add3A_93 : i32 to vector<16xi32>
    %add3A_95 = arith.addi %iota3A, %add3A_94 : vector<16xi32>
    %get3A_96 = arith.constant 112 : index
    %get3A_97 = tpu.vector_load %arg6[%get3A_96] {strides = array<i32>} : memref<512xi32, #tpu.memory_space<vmem>>, vector<16xi32>,
    %and3A_98 = arith.constant 127 : i32
    %and3A_99 = vector.broadcast %and3A_98 : i32 to vector<16xi32>
    %and3A_100 = arith.andi %get3A_97, %and3A_99 : vector<16xi32>
    %gather3A_101 = tpu.vector_load_idx %arg9[%add3A_95, %and3A_100] : memref<512x128xf32, #tpu.memory_space<vmem>>[vector<16xi32>, vector<16xi32>], vector<16xf32>,
    %swap3A_102 = arith.constant 112 : index
    %swap3A_103 = tpu.vector_load %arg10[%swap3A_102] {strides = array<i32>} : memref<512xf32, #tpu.memory_space<vmem>>, vector<16xf32>,
    tpu.vector_store %arg10[%swap3A_102], %gather3A_101 {strides = array<i32>} : memref<512xf32, #tpu.memory_space<vmem>>, vector<16xf32>,
    %add3A_104 = arith.constant 128 : i32
    %add3A_105 = vector.broadcast %add3A_104 : i32 to vector<16xi32>
    %add3A_106 = arith.addi %iota3A, %add3A_105 : vector<16xi32>
    %get3A_107 = arith.constant 128 : index
    %get3A_108 = tpu.vector_load %arg6[%get3A_107] {strides = array<i32>} : memref<512xi32, #tpu.memory_space<vmem>>, vector<16xi32>,
    %and3A_109 = arith.constant 127 : i32
    %and3A_110 = vector.broadcast %and3A_109 : i32 to vector<16xi32>
    %and3A_111 = arith.andi %get3A_108, %and3A_110 : vector<16xi32>
    %gather3A_112 = tpu.vector_load_idx %arg9[%add3A_106, %and3A_111] : memref<512x128xf32, #tpu.memory_space<vmem>>[vector<16xi32>, vector<16xi32>], vector<16xf32>,
    %swap3A_113 = arith.constant 128 : index
    %swap3A_114 = tpu.vector_load %arg10[%swap3A_113] {strides = array<i32>} : memref<512xf32, #tpu.memory_space<vmem>>, vector<16xf32>,
    tpu.vector_store %arg10[%swap3A_113], %gather3A_112 {strides = array<i32>} : memref<512xf32, #tpu.memory_space<vmem>>, vector<16xf32>,
    %add3A_115 = arith.constant 144 : i32
    %add3A_116 = vector.broadcast %add3A_115 : i32 to vector<16xi32>
    %add3A_117 = arith.addi %iota3A, %add3A_116 : vector<16xi32>
    %get3A_118 = arith.constant 144 : index
    %get3A_119 = tpu.vector_load %arg6[%get3A_118] {strides = array<i32>} : memref<512xi32, #tpu.memory_space<vmem>>, vector<16xi32>,
    %and3A_120 = arith.constant 127 : i32
    %and3A_121 = vector.broadcast %and3A_120 : i32 to vector<16xi32>
    %and3A_122 = arith.andi %get3A_119, %and3A_121 : vector<16xi32>
    %gather3A_123 = tpu.vector_load_idx %arg9[%add3A_117, %and3A_122] : memref<512x128xf32, #tpu.memory_space<vmem>>[vector<16xi32>, vector<16xi32>], vector<16xf32>,
    %swap3A_124 = arith.constant 144 : index
    %swap3A_125 = tpu.vector_load %arg10[%swap3A_124] {strides = array<i32>} : memref<512xf32, #tpu.memory_space<vmem>>, vector<16xf32>,
    tpu.vector_store %arg10[%swap3A_124], %gather3A_123 {strides = array<i32>} : memref<512xf32, #tpu.memory_space<vmem>>, vector<16xf32>,
    %add3A_126 = arith.constant 160 : i32
    %add3A_127 = vector.broadcast %add3A_126 : i32 to vector<16xi32>
    %add3A_128 = arith.addi %iota3A, %add3A_127 : vector<16xi32>
    %get3A_129 = arith.constant 160 : index
    %get3A_130 = tpu.vector_load %arg6[%get3A_129] {strides = array<i32>} : memref<512xi32, #tpu.memory_space<vmem>>, vector<16xi32>,
    %and3A_131 = arith.constant 127 : i32
    %and3A_132 = vector.broadcast %and3A_131 : i32 to vector<16xi32>
    %and3A_133 = arith.andi %get3A_130, %and3A_132 : vector<16xi32>
    %gather3A_134 = tpu.vector_load_idx %arg9[%add3A_128, %and3A_133] : memref<512x128xf32, #tpu.memory_space<vmem>>[vector<16xi32>, vector<16xi32>], vector<16xf32>,
    %swap3A_135 = arith.constant 160 : index
    %swap3A_136 = tpu.vector_load %arg10[%swap3A_135] {strides = array<i32>} : memref<512xf32, #tpu.memory_space<vmem>>, vector<16xf32>,
    tpu.vector_store %arg10[%swap3A_135], %gather3A_134 {strides = array<i32>} : memref<512xf32, #tpu.memory_space<vmem>>, vector<16xf32>,
    %add3A_137 = arith.constant 176 : i32
    %add3A_138 = vector.broadcast %add3A_137 : i32 to vector<16xi32>
    %add3A_139 = arith.addi %iota3A, %add3A_138 : vector<16xi32>
    %get3A_140 = arith.constant 176 : index
    %get3A_141 = tpu.vector_load %arg6[%get3A_140] {strides = array<i32>} : memref<512xi32, #tpu.memory_space<vmem>>, vector<16xi32>,
    %and3A_142 = arith.constant 127 : i32
    %and3A_143 = vector.broadcast %and3A_142 : i32 to vector<16xi32>
    %and3A_144 = arith.andi %get3A_141, %and3A_143 : vector<16xi32>
    %gather3A_145 = tpu.vector_load_idx %arg9[%add3A_139, %and3A_144] : memref<512x128xf32, #tpu.memory_space<vmem>>[vector<16xi32>, vector<16xi32>], vector<16xf32>,
    %swap3A_146 = arith.constant 176 : index
    %swap3A_147 = tpu.vector_load %arg10[%swap3A_146] {strides = array<i32>} : memref<512xf32, #tpu.memory_space<vmem>>, vector<16xf32>,
    tpu.vector_store %arg10[%swap3A_146], %gather3A_145 {strides = array<i32>} : memref<512xf32, #tpu.memory_space<vmem>>, vector<16xf32>,
    %add3A_148 = arith.constant 192 : i32
    %add3A_149 = vector.broadcast %add3A_148 : i32 to vector<16xi32>
    %add3A_150 = arith.addi %iota3A, %add3A_149 : vector<16xi32>
    %get3A_151 = arith.constant 192 : index
    %get3A_152 = tpu.vector_load %arg6[%get3A_151] {strides = array<i32>} : memref<512xi32, #tpu.memory_space<vmem>>, vector<16xi32>,
    %and3A_153 = arith.constant 127 : i32
    %and3A_154 = vector.broadcast %and3A_153 : i32 to vector<16xi32>
    %and3A_155 = arith.andi %get3A_152, %and3A_154 : vector<16xi32>
    %gather3A_156 = tpu.vector_load_idx %arg9[%add3A_150, %and3A_155] : memref<512x128xf32, #tpu.memory_space<vmem>>[vector<16xi32>, vector<16xi32>], vector<16xf32>,
    %swap3A_157 = arith.constant 192 : index
    %swap3A_158 = tpu.vector_load %arg10[%swap3A_157] {strides = array<i32>} : memref<512xf32, #tpu.memory_space<vmem>>, vector<16xf32>,
    tpu.vector_store %arg10[%swap3A_157], %gather3A_156 {strides = array<i32>} : memref<512xf32, #tpu.memory_space<vmem>>, vector<16xf32>,
    %add3A_159 = arith.constant 208 : i32
    %add3A_160 = vector.broadcast %add3A_159 : i32 to vector<16xi32>
    %add3A_161 = arith.addi %iota3A, %add3A_160 : vector<16xi32>
    %get3A_162 = arith.constant 208 : index
    %get3A_163 = tpu.vector_load %arg6[%get3A_162] {strides = array<i32>} : memref<512xi32, #tpu.memory_space<vmem>>, vector<16xi32>,
    %and3A_164 = arith.constant 127 : i32
    %and3A_165 = vector.broadcast %and3A_164 : i32 to vector<16xi32>
    %and3A_166 = arith.andi %get3A_163, %and3A_165 : vector<16xi32>
    %gather3A_167 = tpu.vector_load_idx %arg9[%add3A_161, %and3A_166] : memref<512x128xf32, #tpu.memory_space<vmem>>[vector<16xi32>, vector<16xi32>], vector<16xf32>,
    %swap3A_168 = arith.constant 208 : index
    %swap3A_169 = tpu.vector_load %arg10[%swap3A_168] {strides = array<i32>} : memref<512xf32, #tpu.memory_space<vmem>>, vector<16xf32>,
    tpu.vector_store %arg10[%swap3A_168], %gather3A_167 {strides = array<i32>} : memref<512xf32, #tpu.memory_space<vmem>>, vector<16xf32>,
    %add3A_170 = arith.constant 224 : i32
    %add3A_171 = vector.broadcast %add3A_170 : i32 to vector<16xi32>
    %add3A_172 = arith.addi %iota3A, %add3A_171 : vector<16xi32>
    %get3A_173 = arith.constant 224 : index
    %get3A_174 = tpu.vector_load %arg6[%get3A_173] {strides = array<i32>} : memref<512xi32, #tpu.memory_space<vmem>>, vector<16xi32>,
    %and3A_175 = arith.constant 127 : i32
    %and3A_176 = vector.broadcast %and3A_175 : i32 to vector<16xi32>
    %and3A_177 = arith.andi %get3A_174, %and3A_176 : vector<16xi32>
    %gather3A_178 = tpu.vector_load_idx %arg9[%add3A_172, %and3A_177] : memref<512x128xf32, #tpu.memory_space<vmem>>[vector<16xi32>, vector<16xi32>], vector<16xf32>,
    %swap3A_179 = arith.constant 224 : index
    %swap3A_180 = tpu.vector_load %arg10[%swap3A_179] {strides = array<i32>} : memref<512xf32, #tpu.memory_space<vmem>>, vector<16xf32>,
    tpu.vector_store %arg10[%swap3A_179], %gather3A_178 {strides = array<i32>} : memref<512xf32, #tpu.memory_space<vmem>>, vector<16xf32>,
    %add3A_181 = arith.constant 240 : i32
    %add3A_182 = vector.broadcast %add3A_181 : i32 to vector<16xi32>
    %add3A_183 = arith.addi %iota3A, %add3A_182 : vector<16xi32>
    %get3A_184 = arith.constant 240 : index
    %get3A_185 = tpu.vector_load %arg6[%get3A_184] {strides = array<i32>} : memref<512xi32, #tpu.memory_space<vmem>>, vector<16xi32>,
    %and3A_186 = arith.constant 127 : i32
    %and3A_187 = vector.broadcast %and3A_186 : i32 to vector<16xi32>
    %and3A_188 = arith.andi %get3A_185, %and3A_187 : vector<16xi32>
    %gather3A_189 = tpu.vector_load_idx %arg9[%add3A_183, %and3A_188] : memref<512x128xf32, #tpu.memory_space<vmem>>[vector<16xi32>, vector<16xi32>], vector<16xf32>,
    %swap3A_190 = arith.constant 240 : index
    %swap3A_191 = tpu.vector_load %arg10[%swap3A_190] {strides = array<i32>} : memref<512xf32, #tpu.memory_space<vmem>>, vector<16xf32>,
    tpu.vector_store %arg10[%swap3A_190], %gather3A_189 {strides = array<i32>} : memref<512xf32, #tpu.memory_space<vmem>>, vector<16xf32>,
    %add3A_192 = arith.constant 256 : i32
    %add3A_193 = vector.broadcast %add3A_192 : i32 to vector<16xi32>
    %add3A_194 = arith.addi %iota3A, %add3A_193 : vector<16xi32>
    %get3A_195 = arith.constant 256 : index
    %get3A_196 = tpu.vector_load %arg6[%get3A_195] {strides = array<i32>} : memref<512xi32, #tpu.memory_space<vmem>>, vector<16xi32>,
    %and3A_197 = arith.constant 127 : i32
    %and3A_198 = vector.broadcast %and3A_197 : i32 to vector<16xi32>
    %and3A_199 = arith.andi %get3A_196, %and3A_198 : vector<16xi32>
    %gather3A_200 = tpu.vector_load_idx %arg9[%add3A_194, %and3A_199] : memref<512x128xf32, #tpu.memory_space<vmem>>[vector<16xi32>, vector<16xi32>], vector<16xf32>,
    %swap3A_201 = arith.constant 256 : index
    %swap3A_202 = tpu.vector_load %arg10[%swap3A_201] {strides = array<i32>} : memref<512xf32, #tpu.memory_space<vmem>>, vector<16xf32>,
    tpu.vector_store %arg10[%swap3A_201], %gather3A_200 {strides = array<i32>} : memref<512xf32, #tpu.memory_space<vmem>>, vector<16xf32>,
    %add3A_203 = arith.constant 272 : i32
    %add3A_204 = vector.broadcast %add3A_203 : i32 to vector<16xi32>
    %add3A_205 = arith.addi %iota3A, %add3A_204 : vector<16xi32>
    %get3A_206 = arith.constant 272 : index
    %get3A_207 = tpu.vector_load %arg6[%get3A_206] {strides = array<i32>} : memref<512xi32, #tpu.memory_space<vmem>>, vector<16xi32>,
    %and3A_208 = arith.constant 127 : i32
    %and3A_209 = vector.broadcast %and3A_208 : i32 to vector<16xi32>
    %and3A_210 = arith.andi %get3A_207, %and3A_209 : vector<16xi32>
    %gather3A_211 = tpu.vector_load_idx %arg9[%add3A_205, %and3A_210] : memref<512x128xf32, #tpu.memory_space<vmem>>[vector<16xi32>, vector<16xi32>], vector<16xf32>,
    %swap3A_212 = arith.constant 272 : index
    %swap3A_213 = tpu.vector_load %arg10[%swap3A_212] {strides = array<i32>} : memref<512xf32, #tpu.memory_space<vmem>>, vector<16xf32>,
    tpu.vector_store %arg10[%swap3A_212], %gather3A_211 {strides = array<i32>} : memref<512xf32, #tpu.memory_space<vmem>>, vector<16xf32>,
    %add3A_214 = arith.constant 288 : i32
    %add3A_215 = vector.broadcast %add3A_214 : i32 to vector<16xi32>
    %add3A_216 = arith.addi %iota3A, %add3A_215 : vector<16xi32>
    %get3A_217 = arith.constant 288 : index
    %get3A_218 = tpu.vector_load %arg6[%get3A_217] {strides = array<i32>} : memref<512xi32, #tpu.memory_space<vmem>>, vector<16xi32>,
    %and3A_219 = arith.constant 127 : i32
    %and3A_220 = vector.broadcast %and3A_219 : i32 to vector<16xi32>
    %and3A_221 = arith.andi %get3A_218, %and3A_220 : vector<16xi32>
    %gather3A_222 = tpu.vector_load_idx %arg9[%add3A_216, %and3A_221] : memref<512x128xf32, #tpu.memory_space<vmem>>[vector<16xi32>, vector<16xi32>], vector<16xf32>,
    %swap3A_223 = arith.constant 288 : index
    %swap3A_224 = tpu.vector_load %arg10[%swap3A_223] {strides = array<i32>} : memref<512xf32, #tpu.memory_space<vmem>>, vector<16xf32>,
    tpu.vector_store %arg10[%swap3A_223], %gather3A_222 {strides = array<i32>} : memref<512xf32, #tpu.memory_space<vmem>>, vector<16xf32>,
    %add3A_225 = arith.constant 304 : i32
    %add3A_226 = vector.broadcast %add3A_225 : i32 to vector<16xi32>
    %add3A_227 = arith.addi %iota3A, %add3A_226 : vector<16xi32>
    %get3A_228 = arith.constant 304 : index
    %get3A_229 = tpu.vector_load %arg6[%get3A_228] {strides = array<i32>} : memref<512xi32, #tpu.memory_space<vmem>>, vector<16xi32>,
    %and3A_230 = arith.constant 127 : i32
    %and3A_231 = vector.broadcast %and3A_230 : i32 to vector<16xi32>
    %and3A_232 = arith.andi %get3A_229, %and3A_231 : vector<16xi32>
    %gather3A_233 = tpu.vector_load_idx %arg9[%add3A_227, %and3A_232] : memref<512x128xf32, #tpu.memory_space<vmem>>[vector<16xi32>, vector<16xi32>], vector<16xf32>,
    %swap3A_234 = arith.constant 304 : index
    %swap3A_235 = tpu.vector_load %arg10[%swap3A_234] {strides = array<i32>} : memref<512xf32, #tpu.memory_space<vmem>>, vector<16xf32>,
    tpu.vector_store %arg10[%swap3A_234], %gather3A_233 {strides = array<i32>} : memref<512xf32, #tpu.memory_space<vmem>>, vector<16xf32>,
    %add3A_236 = arith.constant 320 : i32
    %add3A_237 = vector.broadcast %add3A_236 : i32 to vector<16xi32>
    %add3A_238 = arith.addi %iota3A, %add3A_237 : vector<16xi32>
    %get3A_239 = arith.constant 320 : index
    %get3A_240 = tpu.vector_load %arg6[%get3A_239] {strides = array<i32>} : memref<512xi32, #tpu.memory_space<vmem>>, vector<16xi32>,
    %and3A_241 = arith.constant 127 : i32
    %and3A_242 = vector.broadcast %and3A_241 : i32 to vector<16xi32>
    %and3A_243 = arith.andi %get3A_240, %and3A_242 : vector<16xi32>
    %gather3A_244 = tpu.vector_load_idx %arg9[%add3A_238, %and3A_243] : memref<512x128xf32, #tpu.memory_space<vmem>>[vector<16xi32>, vector<16xi32>], vector<16xf32>,
    %swap3A_245 = arith.constant 320 : index
    %swap3A_246 = tpu.vector_load %arg10[%swap3A_245] {strides = array<i32>} : memref<512xf32, #tpu.memory_space<vmem>>, vector<16xf32>,
    tpu.vector_store %arg10[%swap3A_245], %gather3A_244 {strides = array<i32>} : memref<512xf32, #tpu.memory_space<vmem>>, vector<16xf32>,
    %add3A_247 = arith.constant 336 : i32
    %add3A_248 = vector.broadcast %add3A_247 : i32 to vector<16xi32>
    %add3A_249 = arith.addi %iota3A, %add3A_248 : vector<16xi32>
    %get3A_250 = arith.constant 336 : index
    %get3A_251 = tpu.vector_load %arg6[%get3A_250] {strides = array<i32>} : memref<512xi32, #tpu.memory_space<vmem>>, vector<16xi32>,
    %and3A_252 = arith.constant 127 : i32
    %and3A_253 = vector.broadcast %and3A_252 : i32 to vector<16xi32>
    %and3A_254 = arith.andi %get3A_251, %and3A_253 : vector<16xi32>
    %gather3A_255 = tpu.vector_load_idx %arg9[%add3A_249, %and3A_254] : memref<512x128xf32, #tpu.memory_space<vmem>>[vector<16xi32>, vector<16xi32>], vector<16xf32>,
    %swap3A_256 = arith.constant 336 : index
    %swap3A_257 = tpu.vector_load %arg10[%swap3A_256] {strides = array<i32>} : memref<512xf32, #tpu.memory_space<vmem>>, vector<16xf32>,
    tpu.vector_store %arg10[%swap3A_256], %gather3A_255 {strides = array<i32>} : memref<512xf32, #tpu.memory_space<vmem>>, vector<16xf32>,
    %add3A_258 = arith.constant 352 : i32
    %add3A_259 = vector.broadcast %add3A_258 : i32 to vector<16xi32>
    %add3A_260 = arith.addi %iota3A, %add3A_259 : vector<16xi32>
    %get3A_261 = arith.constant 352 : index
    %get3A_262 = tpu.vector_load %arg6[%get3A_261] {strides = array<i32>} : memref<512xi32, #tpu.memory_space<vmem>>, vector<16xi32>,
    %and3A_263 = arith.constant 127 : i32
    %and3A_264 = vector.broadcast %and3A_263 : i32 to vector<16xi32>
    %and3A_265 = arith.andi %get3A_262, %and3A_264 : vector<16xi32>
    %gather3A_266 = tpu.vector_load_idx %arg9[%add3A_260, %and3A_265] : memref<512x128xf32, #tpu.memory_space<vmem>>[vector<16xi32>, vector<16xi32>], vector<16xf32>,
    %swap3A_267 = arith.constant 352 : index
    %swap3A_268 = tpu.vector_load %arg10[%swap3A_267] {strides = array<i32>} : memref<512xf32, #tpu.memory_space<vmem>>, vector<16xf32>,
    tpu.vector_store %arg10[%swap3A_267], %gather3A_266 {strides = array<i32>} : memref<512xf32, #tpu.memory_space<vmem>>, vector<16xf32>,
    %add3A_269 = arith.constant 368 : i32
    %add3A_270 = vector.broadcast %add3A_269 : i32 to vector<16xi32>
    %add3A_271 = arith.addi %iota3A, %add3A_270 : vector<16xi32>
    %get3A_272 = arith.constant 368 : index
    %get3A_273 = tpu.vector_load %arg6[%get3A_272] {strides = array<i32>} : memref<512xi32, #tpu.memory_space<vmem>>, vector<16xi32>,
    %and3A_274 = arith.constant 127 : i32
    %and3A_275 = vector.broadcast %and3A_274 : i32 to vector<16xi32>
    %and3A_276 = arith.andi %get3A_273, %and3A_275 : vector<16xi32>
    %gather3A_277 = tpu.vector_load_idx %arg9[%add3A_271, %and3A_276] : memref<512x128xf32, #tpu.memory_space<vmem>>[vector<16xi32>, vector<16xi32>], vector<16xf32>,
    %swap3A_278 = arith.constant 368 : index
    %swap3A_279 = tpu.vector_load %arg10[%swap3A_278] {strides = array<i32>} : memref<512xf32, #tpu.memory_space<vmem>>, vector<16xf32>,
    tpu.vector_store %arg10[%swap3A_278], %gather3A_277 {strides = array<i32>} : memref<512xf32, #tpu.memory_space<vmem>>, vector<16xf32>,
    %add3A_280 = arith.constant 384 : i32
    %add3A_281 = vector.broadcast %add3A_280 : i32 to vector<16xi32>
    %add3A_282 = arith.addi %iota3A, %add3A_281 : vector<16xi32>
    %get3A_283 = arith.constant 384 : index
    %get3A_284 = tpu.vector_load %arg6[%get3A_283] {strides = array<i32>} : memref<512xi32, #tpu.memory_space<vmem>>, vector<16xi32>,
    %and3A_285 = arith.constant 127 : i32
    %and3A_286 = vector.broadcast %and3A_285 : i32 to vector<16xi32>
    %and3A_287 = arith.andi %get3A_284, %and3A_286 : vector<16xi32>
    %gather3A_288 = tpu.vector_load_idx %arg9[%add3A_282, %and3A_287] : memref<512x128xf32, #tpu.memory_space<vmem>>[vector<16xi32>, vector<16xi32>], vector<16xf32>,
    %swap3A_289 = arith.constant 384 : index
    %swap3A_290 = tpu.vector_load %arg10[%swap3A_289] {strides = array<i32>} : memref<512xf32, #tpu.memory_space<vmem>>, vector<16xf32>,
    tpu.vector_store %arg10[%swap3A_289], %gather3A_288 {strides = array<i32>} : memref<512xf32, #tpu.memory_space<vmem>>, vector<16xf32>,
    %add3A_291 = arith.constant 400 : i32
    %add3A_292 = vector.broadcast %add3A_291 : i32 to vector<16xi32>
    %add3A_293 = arith.addi %iota3A, %add3A_292 : vector<16xi32>
    %get3A_294 = arith.constant 400 : index
    %get3A_295 = tpu.vector_load %arg6[%get3A_294] {strides = array<i32>} : memref<512xi32, #tpu.memory_space<vmem>>, vector<16xi32>,
    %and3A_296 = arith.constant 127 : i32
    %and3A_297 = vector.broadcast %and3A_296 : i32 to vector<16xi32>
    %and3A_298 = arith.andi %get3A_295, %and3A_297 : vector<16xi32>
    %gather3A_299 = tpu.vector_load_idx %arg9[%add3A_293, %and3A_298] : memref<512x128xf32, #tpu.memory_space<vmem>>[vector<16xi32>, vector<16xi32>], vector<16xf32>,
    %swap3A_300 = arith.constant 400 : index
    %swap3A_301 = tpu.vector_load %arg10[%swap3A_300] {strides = array<i32>} : memref<512xf32, #tpu.memory_space<vmem>>, vector<16xf32>,
    tpu.vector_store %arg10[%swap3A_300], %gather3A_299 {strides = array<i32>} : memref<512xf32, #tpu.memory_space<vmem>>, vector<16xf32>,
    %add3A_302 = arith.constant 416 : i32
    %add3A_303 = vector.broadcast %add3A_302 : i32 to vector<16xi32>
    %add3A_304 = arith.addi %iota3A, %add3A_303 : vector<16xi32>
    %get3A_305 = arith.constant 416 : index
    %get3A_306 = tpu.vector_load %arg6[%get3A_305] {strides = array<i32>} : memref<512xi32, #tpu.memory_space<vmem>>, vector<16xi32>,
    %and3A_307 = arith.constant 127 : i32
    %and3A_308 = vector.broadcast %and3A_307 : i32 to vector<16xi32>
    %and3A_309 = arith.andi %get3A_306, %and3A_308 : vector<16xi32>
    %gather3A_310 = tpu.vector_load_idx %arg9[%add3A_304, %and3A_309] : memref<512x128xf32, #tpu.memory_space<vmem>>[vector<16xi32>, vector<16xi32>], vector<16xf32>,
    %swap3A_311 = arith.constant 416 : index
    %swap3A_312 = tpu.vector_load %arg10[%swap3A_311] {strides = array<i32>} : memref<512xf32, #tpu.memory_space<vmem>>, vector<16xf32>,
    tpu.vector_store %arg10[%swap3A_311], %gather3A_310 {strides = array<i32>} : memref<512xf32, #tpu.memory_space<vmem>>, vector<16xf32>,
    %add3A_313 = arith.constant 432 : i32
    %add3A_314 = vector.broadcast %add3A_313 : i32 to vector<16xi32>
    %add3A_315 = arith.addi %iota3A, %add3A_314 : vector<16xi32>
    %get3A_316 = arith.constant 432 : index
    %get3A_317 = tpu.vector_load %arg6[%get3A_316] {strides = array<i32>} : memref<512xi32, #tpu.memory_space<vmem>>, vector<16xi32>,
    %and3A_318 = arith.constant 127 : i32
    %and3A_319 = vector.broadcast %and3A_318 : i32 to vector<16xi32>
    %and3A_320 = arith.andi %get3A_317, %and3A_319 : vector<16xi32>
    %gather3A_321 = tpu.vector_load_idx %arg9[%add3A_315, %and3A_320] : memref<512x128xf32, #tpu.memory_space<vmem>>[vector<16xi32>, vector<16xi32>], vector<16xf32>,
    %swap3A_322 = arith.constant 432 : index
    %swap3A_323 = tpu.vector_load %arg10[%swap3A_322] {strides = array<i32>} : memref<512xf32, #tpu.memory_space<vmem>>, vector<16xf32>,
    tpu.vector_store %arg10[%swap3A_322], %gather3A_321 {strides = array<i32>} : memref<512xf32, #tpu.memory_space<vmem>>, vector<16xf32>,
    %add3A_324 = arith.constant 448 : i32
    %add3A_325 = vector.broadcast %add3A_324 : i32 to vector<16xi32>
    %add3A_326 = arith.addi %iota3A, %add3A_325 : vector<16xi32>
    %get3A_327 = arith.constant 448 : index
    %get3A_328 = tpu.vector_load %arg6[%get3A_327] {strides = array<i32>} : memref<512xi32, #tpu.memory_space<vmem>>, vector<16xi32>,
    %and3A_329 = arith.constant 127 : i32
    %and3A_330 = vector.broadcast %and3A_329 : i32 to vector<16xi32>
    %and3A_331 = arith.andi %get3A_328, %and3A_330 : vector<16xi32>
    %gather3A_332 = tpu.vector_load_idx %arg9[%add3A_326, %and3A_331] : memref<512x128xf32, #tpu.memory_space<vmem>>[vector<16xi32>, vector<16xi32>], vector<16xf32>,
    %swap3A_333 = arith.constant 448 : index
    %swap3A_334 = tpu.vector_load %arg10[%swap3A_333] {strides = array<i32>} : memref<512xf32, #tpu.memory_space<vmem>>, vector<16xf32>,
    tpu.vector_store %arg10[%swap3A_333], %gather3A_332 {strides = array<i32>} : memref<512xf32, #tpu.memory_space<vmem>>, vector<16xf32>,
    %add3A_335 = arith.constant 464 : i32
    %add3A_336 = vector.broadcast %add3A_335 : i32 to vector<16xi32>
    %add3A_337 = arith.addi %iota3A, %add3A_336 : vector<16xi32>
    %get3A_338 = arith.constant 464 : index
    %get3A_339 = tpu.vector_load %arg6[%get3A_338] {strides = array<i32>} : memref<512xi32, #tpu.memory_space<vmem>>, vector<16xi32>,
    %and3A_340 = arith.constant 127 : i32
    %and3A_341 = vector.broadcast %and3A_340 : i32 to vector<16xi32>
    %and3A_342 = arith.andi %get3A_339, %and3A_341 : vector<16xi32>
    %gather3A_343 = tpu.vector_load_idx %arg9[%add3A_337, %and3A_342] : memref<512x128xf32, #tpu.memory_space<vmem>>[vector<16xi32>, vector<16xi32>], vector<16xf32>,
    %swap3A_344 = arith.constant 464 : index
    %swap3A_345 = tpu.vector_load %arg10[%swap3A_344] {strides = array<i32>} : memref<512xf32, #tpu.memory_space<vmem>>, vector<16xf32>,
    tpu.vector_store %arg10[%swap3A_344], %gather3A_343 {strides = array<i32>} : memref<512xf32, #tpu.memory_space<vmem>>, vector<16xf32>,
    %add3A_346 = arith.constant 480 : i32
    %add3A_347 = vector.broadcast %add3A_346 : i32 to vector<16xi32>
    %add3A_348 = arith.addi %iota3A, %add3A_347 : vector<16xi32>
    %get3A_349 = arith.constant 480 : index
    %get3A_350 = tpu.vector_load %arg6[%get3A_349] {strides = array<i32>} : memref<512xi32, #tpu.memory_space<vmem>>, vector<16xi32>,
    %and3A_351 = arith.constant 127 : i32
    %and3A_352 = vector.broadcast %and3A_351 : i32 to vector<16xi32>
    %and3A_353 = arith.andi %get3A_350, %and3A_352 : vector<16xi32>
    %gather3A_354 = tpu.vector_load_idx %arg9[%add3A_348, %and3A_353] : memref<512x128xf32, #tpu.memory_space<vmem>>[vector<16xi32>, vector<16xi32>], vector<16xf32>,
    %swap3A_355 = arith.constant 480 : index
    %swap3A_356 = tpu.vector_load %arg10[%swap3A_355] {strides = array<i32>} : memref<512xf32, #tpu.memory_space<vmem>>, vector<16xf32>,
    tpu.vector_store %arg10[%swap3A_355], %gather3A_354 {strides = array<i32>} : memref<512xf32, #tpu.memory_space<vmem>>, vector<16xf32>,
    %add3A_357 = arith.constant 496 : i32
    %add3A_358 = vector.broadcast %add3A_357 : i32 to vector<16xi32>
    %add3A_359 = arith.addi %iota3A, %add3A_358 : vector<16xi32>
    %get3A_360 = arith.constant 496 : index
    %get3A_361 = tpu.vector_load %arg6[%get3A_360] {strides = array<i32>} : memref<512xi32, #tpu.memory_space<vmem>>, vector<16xi32>,
    %and3A_362 = arith.constant 127 : i32
    %and3A_363 = vector.broadcast %and3A_362 : i32 to vector<16xi32>
    %and3A_364 = arith.andi %get3A_361, %and3A_363 : vector<16xi32>
    %gather3A_365 = tpu.vector_load_idx %arg9[%add3A_359, %and3A_364] : memref<512x128xf32, #tpu.memory_space<vmem>>[vector<16xi32>, vector<16xi32>], vector<16xf32>,
    %swap3A_366 = arith.constant 496 : index
    %swap3A_367 = tpu.vector_load %arg10[%swap3A_366] {strides = array<i32>} : memref<512xf32, #tpu.memory_space<vmem>>, vector<16xf32>,
    tpu.vector_store %arg10[%swap3A_366], %gather3A_365 {strides = array<i32>} : memref<512xf32, #tpu.memory_space<vmem>>, vector<16xf32>,
    "tpu.region"() ({
      %run_scoped3A = tpu.sem_alloc : memref<!tpu.dma_semaphore, #tpu.memory_space<semaphore_mem>>
      %dma_start3A_368 = tpu.memref_slice %arg5[%mul3A_2] : memref<16384xf32, #tpu.memory_space<hbm>> -> memref<512xf32, #tpu.memory_space<hbm>>
      %dma_start3A_369 = tpu.memref_slice %arg5[%mul3A_2] : memref<16384xf32, #tpu.memory_space<hbm>> -> memref<512xf32, #tpu.memory_space<hbm>>
      tpu.enqueue_dma source(%arg10 : memref<512xf32, #tpu.memory_space<vmem>>) target(%dma_start3A_369 : memref<512xf32, #tpu.memory_space<hbm>>) target_semaphore(%run_scoped3A : memref<!tpu.dma_semaphore, #tpu.memory_space<semaphore_mem>>)
      %dma_wait3A_370 = tpu.memref_slice %arg5[%mul3A_2] : memref<16384xf32, #tpu.memory_space<hbm>> -> memref<512xf32, #tpu.memory_space<hbm>>
      %dma_wait3A_371 = tpu.memref_slice %arg5[%mul3A_2] : memref<16384xf32, #tpu.memory_space<hbm>> -> memref<512xf32, #tpu.memory_space<hbm>>
      tpu.wait_dma2 semaphore(%run_scoped3A : memref<!tpu.dma_semaphore, #tpu.memory_space<semaphore_mem>>) src(%arg10 : memref<512xf32, #tpu.memory_space<vmem>>) dst(%dma_wait3A_371 : memref<512xf32, #tpu.memory_space<hbm>>)
      tpu.yield
    }) : () -> ()
    return
  }
}

</mosaic_0001>

<sc_bundles>
// kernel: kernel.3.cloned.1.call-start
scs
__scs_entry_jumppad:
0x0: {  	(pc) =	sbr.rel $0x88, $3  }
0x1: {  	(tag) =	ssettag $0x0;
	lr =	simm.s32 $0x1  }
0x2: {  	[smem:$0x3F9E] =	sst lr;
	_ =	strace $0xD0000000  }
0x3: {  	_ = 	snop  }
0x4: {  	_ = 	snop  }
0x5: {  	_ = 	snop  }
0x6: {  	_ = 	snop  }
0x7: {  	_ = 	snop  }
__scs_overlays_trampoline_lowered:
0x8: {  	[smem:$0x3FAD] =	sst s0  }
0x9: {  	[smem:$0x3FAE] =	sst s1  }
0xa: {  	[smem:$0x3FAF] =	sst s2  }
0xb: {  	[smem:$0x3FB0] =	sst s3  }
0xc: {  	[smem:$0x3FB1] =	sst s4  }
0xd: {  	[smem:$0x3FB2] =	sst s5  }
0xe: {  	[smem:$0x3FB3] =	sst s6  }
0xf: {  	[smem:$0x3FB4] =	sst s7  }
0x10: {  	[smem:$0x3FB5] =	sst s8  }
0x11: {  	[smem:$0x3FB6] =	sst s9;
	s0 =	simm.s32 @!p0 $0x0  }
0x12: {  	s1 =	sld [smem:$0x3F9C];
	s0 =	simm.s32 @p0 $0x1  }
0x13: {  	[smem:$0x3FB7] =	sst s0;
	s0 =	simm.s32 @!p1 $0x0  }
0x14: {  	s2 =	sld [smem:$0x3F9B];
	s0 =	simm.s32 @p1 $0x1  }
0x15: {  	[smem:$0x3FB8] =	sst s0;
	s0 =	simm.s32 @!p2 $0x0  }
0x16: {  	s3 =	sld [smem:$0x3FDB];
	s0 =	simm.s32 @p2 $0x1  }
0x17: {  	s4 =	simm.s32 $0x1BF5;
	[smem:$0x3FBA] =	sst s0  }
0x18: {  	s0 =	sld [smem:$0x3F9D];
	_ =	swait.ge [sflag:s4], $0x0  }
0x19: {  	s7 =	sld [smem:$0x3F9E]  }
0x1a: {  	s8 =	sadd.s32 $0xFFFFE003, lr  }
0x1b: {  	s9 =	sadd.s32 $0xFFFFFEF7, lr;
	s5 =	simm.s32 $0xFFFFFFFF;
	p2 =	slt.u32 s8, $0xFFFFF086  }
0x1c: {  	p1 =	slt.u32 s9, $0xF7A;
	s5 =	simm.s32 @!p2 $0x0  }
0x1d: {  	s5 =	simm.s32 @p1 $0x1;
	p0 =	seq.s32 s7, s2  }
0x1e: {  	s7 =	smul.u32 @!p0 $0xF7A, s2;
	p2 =	seq.s32 @!p0 s5, $0x0  }
0x1f: {  	s9 =	smul.u32 $0xF7A, s1;
	s8 =	simm.s32 @!p0 $0x1BF5;
	p2 =	por !p2, p0  }
0x20: {  	[sflag:s8] =	ssyncset.s32 @!p0 $0xFFFFF086;
	s6 =	sadd.s32 @!p0 s3, s7;
	s7 =	simm.s32 @!p0 $0x108  }
0x21: {  	s3 =	sadd.s32 s3, s9;
	s6 =	sadd.s32 @!p0 $0x88, s6;
	s7 =	simm.s32 @p2 $0x1082  }
0x22: {  	[simem:s7], [sflag:s8] =	dma.local @!p0 [hbm:s6], $0xF7A  }
0x23: {  	s9 =	sor.u32 $0xD0000000, s2;
	s6 =	simm.s32 $0x108;
	_ =	swait.ge @!p0 [sflag:s8], $0x0  }
0x24: {  	s3 =	sadd.s32 $0x88, s3;
	s6 =	simm.s32 @!p1 $0x1082;
	[sflag:s4] =	ssyncset.s32 $0xFFFFF086  }
0x25: {  	[simem:s6], [sflag:s4] =	dma.local [hbm:s3], $0xF7A  }
0x26: {  	[smem:$0x3F9E] =	sst s1;
	(tag) =	ssettag s2;
	_ =	strace s9  }
0x27: {  	s1 =	sld [smem:$0x3FAE]  }
0x28: {  	s2 =	sld [smem:$0x3FAF]  }
0x29: {  	s4 =	sld [smem:$0x3FB1]  }
0x2a: {  	p0 =	seq.s32 s5, $0x0;
	s5 =	sld [smem:$0x3FB2]  }
0x2b: {  	s6 =	sld [smem:$0x3FB3]  }
0x2c: {  	s7 =	sld [smem:$0x3FB4]  }
0x2d: {  	s3 =	simm.s32 $0x108;
	s8 =	sld [smem:$0x3FB5]  }
0x2e: {  	s3 =	simm.s32 @!p0 $0x1082;
	s9 =	sld [smem:$0x3FB6]  }
0x2f: {  	lr =	sadd.s32 s0, s3;
	s0 =	sld [smem:$0x3FAD]  }
0x30: {  	s3 =	sld [smem:$0x3FB0]  }
0x31: {  	[smem:$0x3FB9] =	sst s10  }
0x32: {  	s10 =	sld [smem:$0x3FB7];
	_ =	sdelay $0x3  }
0x33: {  	p0 =	seq.s32 s10, $0x1;
	s10 =	sld [smem:$0x3FB9];
	_ =	sdelay $0x3  }
0x34: {  	[smem:$0x3FB9] =	sst s10  }
0x35: {  	s10 =	sld [smem:$0x3FB8];
	_ =	sdelay $0x3  }
0x36: {  	p1 =	seq.s32 s10, $0x1;
	s10 =	sld [smem:$0x3FB9];
	_ =	sdelay $0x3  }
0x37: {  	[smem:$0x3FB9] =	sst s10  }
0x38: {  	s10 =	sld [smem:$0x3FBA]  }
0x39: {  	_ = 	snop;
	(pc) =	sbr.ind lr, $3  }
0x3a: {  	_ = 	snop  }
0x3b: {  	_ = 	snop  }
0x3c: {  	p2 =	seq.s32 s10, $0x1;
	s10 =	sld [smem:$0x3FB9]  }
0x3d: {  	_ =	shalt  }
0x3e: {  	_ =	shalt  }
0x3f: {  	_ =	shalt  }
0x40: {  	_ =	shalt  }
0x41: {  	_ =	shalt  }
0x42: {  	_ =	shalt  }
0x43: {  	_ =	shalt  }
0x44: {  	_ =	shalt  }
0x45: {  	_ =	shalt  }
0x46: {  	_ =	shalt  }
0x47: {  	_ =	shalt  }
0x48: {  	_ =	shalt  }
0x49: {  	_ =	shalt  }
0x4a: {  	_ =	shalt  }
0x4b: {  	_ =	shalt  }
0x4c: {  	_ =	shalt  }
0x4d: {  	_ =	shalt  }
0x4e: {  	_ =	shalt  }
0x4f: {  	_ =	shalt  }
0x50: {  	_ =	shalt  }
0x51: {  	_ =	shalt  }
0x52: {  	_ =	shalt  }
0x53: {  	_ =	shalt  }
0x54: {  	_ =	shalt  }
0x55: {  	_ =	shalt  }
0x56: {  	_ =	shalt  }
0x57: {  	_ =	shalt  }
0x58: {  	_ =	shalt  }
0x59: {  	_ =	shalt  }
0x5a: {  	_ =	shalt  }
0x5b: {  	_ =	shalt  }
0x5c: {  	_ =	shalt  }
0x5d: {  	_ =	shalt  }
0x5e: {  	_ =	shalt  }
0x5f: {  	_ =	shalt  }
0x60: {  	_ =	shalt  }
0x61: {  	_ =	shalt  }
0x62: {  	_ =	shalt  }
0x63: {  	_ =	shalt  }
0x64: {  	_ =	shalt  }
0x65: {  	_ =	shalt  }
0x66: {  	_ =	shalt  }
0x67: {  	_ =	shalt  }
0x68: {  	_ =	shalt  }
0x69: {  	_ =	shalt  }
0x6a: {  	_ =	shalt  }
0x6b: {  	_ =	shalt  }
0x6c: {  	_ =	shalt  }
0x6d: {  	_ =	shalt  }
0x6e: {  	_ =	shalt  }
0x6f: {  	_ =	shalt  }
0x70: {  	_ =	shalt  }
0x71: {  	_ =	shalt  }
0x72: {  	_ =	shalt  }
0x73: {  	_ =	shalt  }
0x74: {  	_ =	shalt  }
0x75: {  	_ =	shalt  }
0x76: {  	_ =	shalt  }
0x77: {  	_ =	shalt  }
0x78: {  	_ =	shalt  }
0x79: {  	_ =	shalt  }
0x7a: {  	_ =	shalt  }
0x7b: {  	_ =	shalt  }
0x7c: {  	_ =	shalt  }
0x7d: {  	_ =	shalt  }
0x7e: {  	_ =	shalt  }
0x7f: {  	_ =	shalt  }
0x80: {  	_ =	shalt  }
0x81: {  	_ =	shalt  }
0x82: {  	_ =	shalt  }
0x83: {  	_ =	shalt  }
0x84: {  	_ =	shalt  }
0x85: {  	_ =	shalt  }
0x86: {  	_ =	shalt  }
0x87: {  	_ =	shalt  }
.Lfunc_end0:
.L_simem_size_0:
called_computation_lowered:
.L_overlay_start_0:
0x88: {  	s2 =	sld [smem:$0x3FD9]  }
0x89: {  	s3 =	sld [smem:$0x3FFE];
	_ =	sdelay $0x1  }
0x8a: {  	s1 =	srdreg.scid  }
0x8b: {  	s0 =	sand.u32 $0x1, s1  }
0x8c: {  	s18 =	sshll.u32 s0, $0xA;
	s2 =	sadd.s32 s3, s2  }
0x8d: {  	s2 =	sadd.s32 s2, s18  }
0x8e: {  	[smem:$0x3FC5] =	sst s2  }
0x8f: {  	_ = 	snop  }
0x90: {  	s2 =	sld [smem:$0x3FC9]  }
0x91: {  	s19 =	sld [smem:$0x3FC8]  }
0x92: {  	s4 =	sld [smem:$0x3FC7]  }
0x93: {  	s5 =	sld [smem:$0x3FD0];
	(tm) =	ssettm $0x1  }
0x94: {  	s6 =	sld [smem:$0x3FFB];
	_ =	sdelay $0x3  }
0x95: {  	_ =	strace s6  }
0x96: {  	s6 =	sld [smem:$0x3FFC];
	_ =	sdelay $0x3  }
0x97: {  	_ =	strace s6  }
0x98: {  	s6 =	sld [smem:$0x3FFD];
	_ =	sdelay $0x3  }
0x99: {  	_ =	strace s6  }
0x9a: {  	_ =	strace $0x8FFFFFFF  }
0x9b: {  	s20 =	sld [smem:$0x3FDB];
	_ =	sdelay $0x1  }
0x9c: {  	s7 =	simm.s32 $_scs_section_size  }
0x9d: {  	s8 =	simm.s32 $_size__tile_overlayer_lowered;
	s9 =	simm.s32 $_tile_overlayer_lowered  }
0x9e: {  	s23 =	simm.s32 $0x1BFF;
	s22 =	sshll.u32 s9, $0x1;
	s6 =	sadd.s32 s7, s20  }
0x9f: {  	s10 =	simm.s32 $0x0;
	s21 =	sshll.u32 s8, $0x1;
	s8 =	sadd.s32 s22, s6  }
0xa0: {  	[timem:s10], [sflag:s23] =	dma.local [hbm:s8], s21  }
0xa1: {  	_ =	swait.ge [sflag:s23], s21  }
0xa2: {  	s7 =	ssub.s32 $0x0, s21;
	[sflag:s23] =	ssyncset.done $0x0  }
0xa3: {  	[sflag:s23] =	ssyncadd.s32 s7;
	_ =	sdelay $0x1  }
0xa4: {  	s24 =	simm.s32 $0x1B8B  }
0xa5: {  	_ =	swait.ge [sflag:s24], $0x1  }
0xa6: {  	[sflag:s24] =	ssyncset.done $0x0  }
0xa7: {  	s25 =	simm.s32 $0x1B8E;
	[sflag:s24] =	ssyncadd.s32 $0xFFFFFFFF  }
0xa8: {  	s26 =	simm.s32 $execute0_lowered;
	[smem:$0x3FD2] =	sst s25  }
0xa9: {  	s7 =	sshll.u32 s26, $0x1;
	_ =	strace $0x80000046;
	[dreg:$0x1] =	wrdreg $0xFFFFFFFF  }
0xaa: {  	s28 =	simm.s32 $_size_execute0_lowered;
	s6 =	sadd.s32 s6, s7;
	[dreg:$0x0] =	wrdreg $0x0  }
0xab: {  	s7 =	sshll.u32 s28, $0x1;
	[dreg:$0x2] =	wrdreg s6  }
0xac: {  	[dreg:$0x3] =	wrdreg s7  }
0xad: {  	[dreg:$0x4] =	wrdreg $0xC0  }
0xae: {  	_ =	task [dreg:s10], $0x5FFFF  }
0xaf: {  	[dreg:$0x1] =	wrdreg $0xFFFFFFFF  }
0xb0: {  	[dreg:$0x0] =	wrdreg $0x60  }
0xb1: {  	[dreg:$0x2] =	wrdreg s2  }
0xb2: {  	[dreg:$0x3] =	wrdreg s19  }
0xb3: {  	[dreg:$0x4] =	wrdreg s4  }
0xb4: {  	[dreg:$0x5] =	wrdreg s5  }
0xb5: {  	[dreg:$0x6] =	wrdreg $0x9  }
0xb6: {  	_ =	task.clear_ibuf [dreg:s10], $0x7FFFF;
	_ =	strace $0x90000046  }
0xb7: {  	s29 =	simm.s32 $0x9;
	_ =	strace $0x80000048  }
0xb8: {  	_ =	swait.ge [sflag:s29], $0x1  }
0xb9: {  	[sflag:s29] =	ssyncadd.s32 $0xFFFFFFFF  }
0xba: {  	_ =	strace $0x90000048  }
0xbb: {  	_ =	sfence  }
0xbc: {  	s30 =	sld [smem:$0x0];
	_ =	sdelay $0x2  }
0xbd: {  	s31 =	sshll.u32 s1, $0xD;
	s1 =	sshrl.u32 s1, $0x2  }
0xbe: {  	s3 =	sand.u32 $0x4000, s31;
	s1 =	sadd.s32 s1, s30  }
0xbf: {  	s0 =	sor.u32 s3, s0;
	s1 =	sshll.u32 s1, $0x11  }
0xc0: {  	s0 =	sor.u32 s1, s0  }
0xc1: {  	s0 =	sadd.s32 $0x8F2B, s0  }
0xc2: {  	[sflag:s0] =	ssyncadd.remote.s32 $0x1  }
0xc3: {  	_ =	sfence.sel $0xFFFF  }
0xc4: {  	[dreg:$0x0] =	wrdreg $0xFFFFFFFF;
	(pc) =	sbr.abs _section_cstart, $3  }
0xc5: {  	[dreg:$0x1] =	wrdreg $0xFFFFFFFF  }
0xc6: {  	_ =	task.clear_ibuf [dreg:s10], $0x2FFFF;
	_ =	strace $0x9FFFFFFF  }
0xc7: {  	(tm) =	ssettm $0x7FFFFFFF  }
tec
execute0_lowered:
.L_overlay_start_1:
0x0: {  	(tag) =	ssettag $0x1  }
0x1: {  	v1 =	vlaneseq.u32  }
0x2: {  	v0 =	vmul.u32 $0x80, v1  }
0x3: {  	s0 =	rddreg [dreg:$0x0];
	vm0 =	vmmov $0x1  }
0x4: {  	s3 =	rddreg [dreg:$0x1];
	v2 =	vimm.s32 $0x0;
	v1 =	vmul.u32 $0x8, v1;
	v3 =	vor.u32 $0x800, v0  }
0x5: {  	s4 =	rddreg [dreg:$0x2];
	v4 =	vor.u32 $0x1000, v0;
	v5 =	vor.u32 $0x1800, v0;
	v6 =	vor.u32 $0x2000, v0  }
0x6: {  	s5 =	rddreg [dreg:$0x3];
	s6 =	srdreg.scid;
	v7 =	vor.u32 $0x2800, v0;
	v8 =	vor.u32 $0x3000, v0;
	v9 =	vor.u32 $0x3800, v0  }
0x7: {  	s1 =	simm.s32 $0x0;
	s2 =	stileid.u32;
	[dreg:$0x6] =	wrdreg s0;
	v10 =	vor.u32 $0x4000, v0;
	v11 =	vor.u32 $0x4800, v0;
	v12 =	vor.u32 $0x5000, v0  }
0x8: {  	s31 =	simm.s32 $0x400;
	s10 =	simm.s32 $0x2;
	s0 =	rddreg [dreg:$0x4];
	v13 =	vor.u32 $0x5800, v0;
	v14 =	vor.u32 $0x6000, v0;
	v15 =	vor.u32 $0x6800, v0  }
0x9: {  	s11 =	simm.s32 $0x0;
	[smem:$0x7FF] =	sst s1;
	s6 =	sand.u32 $0x1, s6;
	v16 =	vor.u32 $0x7000, v0;
	v17 =	vor.u32 $0x7800, v0;
	v18 =	vor.u32 $0x8000, v0  }
0xa: {  	s8 =	sshll.u32 s2, $0x7;
	s7 =	ssub.s32 $0x2, s6;
	s6 =	sshll.u32 s6, $0x6;
	v19 =	vor.u32 $0x8800, v0;
	v20 =	vor.u32 $0x9000, v0;
	v21 =	vor.u32 $0x9800, v0  }
0xb: {  	_ =	strace $0x80000047;
	[dreg:$0x5] =	wrdreg s31;
	s9 =	sshrl.u32 s7, $0x1;
	v22 =	vor.u32 $0xA000, v0;
	v23 =	vor.u32 $0xA800, v0;
	v24 =	vor.u32 $0xB000, v0  }
0xc: {  	s6 =	sor.u32 s6, s8;
	v25 =	vor.u32 $0xB800, v0;
	v26 =	vor.u32 $0xC000, v0;
	v27 =	vor.u32 $0xC800, v0;
	s8 =	simm.s32 $0x1400;
	s7 =	ssub.s32 s7, s9  }
0xd: {  	v28 =	vor.u32 $0xD000, v0;
	v29 =	vor.u32 $0xD800, v0;
	v30 =	vor.u32 $0xE000, v0;
	s3 =	sadd.s32 s3, s6;
	s4 =	sadd.s32 s4, s6;
	s5 =	sadd.s32 s5, s6  }
0xe: {  	v31 =	vor.u32 $0xE800, v0;
	v32 =	vor.u32 $0xF000, v0;
	v33 =	vor.u32 $0xF800, v0;
	s9 =	simm.s32 $0x11400;
	s6 =	smax.u32 s7, $0x1;
	s7 =	simm.s32 $0x1  }
.LBB2_1:
0xf: {  	[tilespmem:s1], [sflag:$0x1] =	stream.linear.gather [hbm4b:s3+s1], $0x200, $0x38;
	[tilespmem:$0x11600] =	vst v63  }
0x10: {  	s12 =	simm.s32 $0x200  }
0x11: {  	[tilespmem:s12], [sflag:$0x1] =	stream.linear.gather [hbm4b:s4+s1], $0x200, $0x38;
	[tilespmem:$0x11600] =	vst v63  }
0x12: {  	_ =	swait.ge [sflag:s7], $0x200  }
0x13: {  	[sflag:s7] =	ssyncset.done $0x0  }
0x14: {  	[sflag:s7] =	ssyncadd.s32 $0xFFFFFE00  }
0x15: {  	_ =	swait.ge [sflag:s7], $0x200  }
0x16: {  	s13 =	simm.s32 $0x440;
	s14 =	simm.s32 $0x0;
	[sflag:s7] =	ssyncset.done $0x0  }
0x17: {  	s15 =	simm.s32 $0x0;
	s16 =	simm.s32 $0x0;
	[sflag:s7] =	ssyncadd.s32 $0xFFFFFE00  }
.LBB2_2:
0x18: {  	v34 =	vmov s15  }
0x19: {  	v34 =	vshll.u32 v34, $0x3  }
0x1a: {  	v35 =	vld [tilespmem:s12+$0x0];
	v34 =	vor.u32 v1, v34;
	_ =	sdelay $0x3  }
0x1b: {  	s17 =	rddreg [dreg:$0x5]  }
0x1c: {  	[tilespmem:v34+s17+$0x0] =	vst.idx.msk $0xffff, v35  }
0x1d: {  	v34 =	vld [tilespmem:s14+$0x0];
	_ =	sdelay $0x4  }
0x1e: {  	s24 =	rddreg [dreg:$0x6];
	v34 =	vand.u32 $0xFFFFFF80, v34  }
0x1f: {  	v34 =	vadd.s32 s24, v34  }
0x20: {  	v35 =	vld.msk [tilespmem:s13+$0xFFFFFFC0], $0x1;
	(v2sf) =	vpush v34, $0x0;
	_ =	sdelay $0x4  }
0x21: {  	v36 =	vshrl.u32 v35, $0x3  }
0x22: {  	v36 =	vmul.u32 $0x1870, v36  }
0x23: {  	v35 =	vand.u32 $0x7, v35  }
0x24: {  	v35 =	vor.u32 v35, v36  }
0x25: {  	v35 =	vperm.xlane v35, v2;
	_ =	sdelay $0x1  }
0x26: {  	v35 =	vadd.s32 v1, v35;
	_ =	sdelay $0x2  }
0x27: {  	s17 =	sshra.s32 s16, $0x2  }
0x28: {  	s18 =	sadd.s32 $0x1400, s17;
	s19 =	spop (v2sf)  }
0x29: {  	[tilespmem:s18], [sflag:$0x1] =	stream.indirect_vreg.gather [hbm4b:s19+s1], $0x80, v35, vm0, $0xb8;
	[tilespmem:$0x11600] =	vst v63  }
0x2a: {  	(v2sf) =	vpush v34, $0x1;
	v35 =	vld.msk [tilespmem:s13+$0xFFFFFFC8], $0x1;
	_ =	sdelay $0x4  }
0x2b: {  	v48 =	vshrl.u32 v35, $0x3  }
0x2c: {  	v36 =	vmul.u32 $0x1870, v48  }
0x2d: {  	v35 =	vand.u32 $0x7, v35  }
0x2e: {  	v35 =	vor.u32 v35, v36  }
0x2f: {  	v35 =	vperm.xlane v35, v2;
	_ =	sdelay $0x1  }
0x30: {  	v35 =	vadd.s32 v1, v35;
	_ =	sdelay $0x3  }
0x31: {  	s25 =	sadd.s32 $0x1480, s17;
	s26 =	spop (v2sf)  }
0x32: {  	[tilespmem:s25], [sflag:$0x1] =	stream.indirect_vreg.gather [hbm4b:s26+s1], $0x80, v35, vm0, $0xb8;
	[tilespmem:$0x11600] =	vst v63  }
0x33: {  	(v2sf) =	vpush v34, $0x2;
	v35 =	vld.msk [tilespmem:s13+$0xFFFFFFD0], $0x1;
	_ =	sdelay $0x4  }
0x34: {  	v49 =	vshrl.u32 v35, $0x3  }
0x35: {  	v36 =	vmul.u32 $0x1870, v49  }
0x36: {  	v35 =	vand.u32 $0x7, v35  }
0x37: {  	v35 =	vor.u32 v35, v36  }
0x38: {  	v35 =	vperm.xlane v35, v2;
	_ =	sdelay $0x1  }
0x39: {  	v35 =	vadd.s32 v1, v35;
	_ =	sdelay $0x3  }
0x3a: {  	s28 =	sadd.s32 $0x1500, s17;
	s29 =	spop (v2sf)  }
0x3b: {  	[tilespmem:s28], [sflag:$0x1] =	stream.indirect_vreg.gather [hbm4b:s29+s1], $0x80, v35, vm0, $0xb8;
	[tilespmem:$0x11600] =	vst v63  }
0x3c: {  	(v2sf) =	vpush v34, $0x3;
	v35 =	vld.msk [tilespmem:s13+$0xFFFFFFD8], $0x1;
	_ =	sdelay $0x4  }
0x3d: {  	v50 =	vshrl.u32 v35, $0x3  }
0x3e: {  	v36 =	vmul.u32 $0x1870, v50  }
0x3f: {  	v35 =	vand.u32 $0x7, v35  }
0x40: {  	v35 =	vor.u32 v35, v36  }
0x41: {  	v35 =	vperm.xlane v35, v2;
	_ =	sdelay $0x1  }
0x42: {  	v35 =	vadd.s32 v1, v35;
	_ =	sdelay $0x3  }
0x43: {  	s30 =	sadd.s32 $0x1580, s17;
	s31 =	spop (v2sf)  }
0x44: {  	[tilespmem:s30], [sflag:$0x1] =	stream.indirect_vreg.gather [hbm4b:s31+s1], $0x80, v35, vm0, $0xb8;
	[tilespmem:$0x11600] =	vst v63  }
0x45: {  	(v2sf) =	vpush v34, $0x4;
	v35 =	vld.msk [tilespmem:s13+$0xFFFFFFE0], $0x1;
	_ =	sdelay $0x4  }
0x46: {  	v51 =	vshrl.u32 v35, $0x3  }
0x47: {  	v36 =	vmul.u32 $0x1870, v51  }
0x48: {  	v35 =	vand.u32 $0x7, v35  }
0x49: {  	v35 =	vor.u32 v35, v36  }
0x4a: {  	v35 =	vperm.xlane v35, v2;
	_ =	sdelay $0x1  }
0x4b: {  	v35 =	vadd.s32 v1, v35;
	_ =	sdelay $0x3  }
0x4c: {  	s19 =	sadd.s32 $0x1600, s17;
	s20 =	spop (v2sf)  }
0x4d: {  	[tilespmem:s19], [sflag:$0x1] =	stream.indirect_vreg.gather [hbm4b:s20+s1], $0x80, v35, vm0, $0xb8;
	[tilespmem:$0x11600] =	vst v63  }
0x4e: {  	(v2sf) =	vpush v34, $0x5;
	v35 =	vld.msk [tilespmem:s13+$0xFFFFFFE8], $0x1;
	_ =	sdelay $0x4  }
0x4f: {  	v52 =	vshrl.u32 v35, $0x3  }
0x50: {  	v36 =	vmul.u32 $0x1870, v52  }
0x51: {  	v35 =	vand.u32 $0x7, v35  }
0x52: {  	v35 =	vor.u32 v35, v36  }
0x53: {  	v35 =	vperm.xlane v35, v2;
	_ =	sdelay $0x1  }
0x54: {  	v35 =	vadd.s32 v1, v35;
	_ =	sdelay $0x3  }
0x55: {  	s21 =	sadd.s32 $0x1680, s17;
	s22 =	spop (v2sf)  }
0x56: {  	[tilespmem:s21], [sflag:$0x1] =	stream.indirect_vreg.gather [hbm4b:s22+s1], $0x80, v35, vm0, $0xb8;
	[tilespmem:$0x11600] =	vst v63  }
0x57: {  	(v2sf) =	vpush v34, $0x6;
	v35 =	vld.msk [tilespmem:s13+$0xFFFFFFF0], $0x1;
	_ =	sdelay $0x4  }
0x58: {  	v53 =	vshrl.u32 v35, $0x3  }
0x59: {  	v36 =	vmul.u32 $0x1870, v53  }
0x5a: {  	v35 =	vand.u32 $0x7, v35  }
0x5b: {  	v35 =	vor.u32 v35, v36  }
0x5c: {  	v35 =	vperm.xlane v35, v2;
	_ =	sdelay $0x1  }
0x5d: {  	v35 =	vadd.s32 v1, v35;
	_ =	sdelay $0x3  }
0x5e: {  	s23 =	sadd.s32 $0x1700, s17;
	s24 =	spop (v2sf)  }
0x5f: {  	[tilespmem:s23], [sflag:$0x1] =	stream.indirect_vreg.gather [hbm4b:s24+s1], $0x80, v35, vm0, $0xb8;
	[tilespmem:$0x11600] =	vst v63  }
0x60: {  	(v2sf) =	vpush v34, $0x7;
	v35 =	vld.msk [tilespmem:s13+$0xFFFFFFF8], $0x1;
	_ =	sdelay $0x4  }
0x61: {  	v54 =	vshrl.u32 v35, $0x3  }
0x62: {  	v36 =	vmul.u32 $0x1870, v54  }
0x63: {  	v35 =	vand.u32 $0x7, v35  }
0x64: {  	v35 =	vor.u32 v35, v36  }
0x65: {  	v35 =	vperm.xlane v35, v2;
	_ =	sdelay $0x1  }
0x66: {  	v35 =	vadd.s32 v1, v35;
	_ =	sdelay $0x3  }
0x67: {  	s25 =	sadd.s32 $0x1780, s17;
	s26 =	spop (v2sf)  }
0x68: {  	[tilespmem:s25], [sflag:$0x1] =	stream.indirect_vreg.gather [hbm4b:s26+s1], $0x80, v35, vm0, $0xb8;
	[tilespmem:$0x11600] =	vst v63  }
0x69: {  	(v2sf) =	vpush v34, $0x8;
	v35 =	vld.msk [tilespmem:s13+$0x0], $0x1;
	_ =	sdelay $0x4  }
0x6a: {  	v55 =	vshrl.u32 v35, $0x3  }
0x6b: {  	v36 =	vmul.u32 $0x1870, v55  }
0x6c: {  	v35 =	vand.u32 $0x7, v35  }
0x6d: {  	v35 =	vor.u32 v35, v36  }
0x6e: {  	v35 =	vperm.xlane v35, v2;
	_ =	sdelay $0x1  }
0x6f: {  	v35 =	vadd.s32 v1, v35;
	_ =	sdelay $0x3  }
0x70: {  	s28 =	sadd.s32 $0x1800, s17;
	s29 =	spop (v2sf)  }
0x71: {  	[tilespmem:s28], [sflag:$0x1] =	stream.indirect_vreg.gather [hbm4b:s29+s1], $0x80, v35, vm0, $0xb8;
	[tilespmem:$0x11600] =	vst v63  }
0x72: {  	(v2sf) =	vpush v34, $0x9;
	v35 =	vld.msk [tilespmem:s13+$0x8], $0x1;
	_ =	sdelay $0x4  }
0x73: {  	v56 =	vshrl.u32 v35, $0x3  }
0x74: {  	v36 =	vmul.u32 $0x1870, v56  }
0x75: {  	v35 =	vand.u32 $0x7, v35  }
0x76: {  	v35 =	vor.u32 v35, v36  }
0x77: {  	v35 =	vperm.xlane v35, v2;
	_ =	sdelay $0x1  }
0x78: {  	v35 =	vadd.s32 v1, v35;
	_ =	sdelay $0x3  }
0x79: {  	s30 =	sadd.s32 $0x1880, s17;
	s31 =	spop (v2sf)  }
0x7a: {  	[tilespmem:s30], [sflag:$0x1] =	stream.indirect_vreg.gather [hbm4b:s31+s1], $0x80, v35, vm0, $0xb8;
	[tilespmem:$0x11600] =	vst v63  }
0x7b: {  	(v2sf) =	vpush v34, $0xA;
	v35 =	vld.msk [tilespmem:s13+$0x10], $0x1;
	_ =	sdelay $0x4  }
0x7c: {  	v57 =	vshrl.u32 v35, $0x3  }
0x7d: {  	v36 =	vmul.u32 $0x1870, v57  }
0x7e: {  	v35 =	vand.u32 $0x7, v35  }
0x7f: {  	v35 =	vor.u32 v35, v36  }
0x80: {  	v35 =	vperm.xlane v35, v2;
	_ =	sdelay $0x1  }
0x81: {  	v35 =	vadd.s32 v1, v35;
	_ =	sdelay $0x3  }
0x82: {  	s20 =	sadd.s32 $0x1900, s17;
	s21 =	spop (v2sf)  }
0x83: {  	[tilespmem:s20], [sflag:$0x1] =	stream.indirect_vreg.gather [hbm4b:s21+s1], $0x80, v35, vm0, $0xb8;
	[tilespmem:$0x11600] =	vst v63  }
0x84: {  	(v2sf) =	vpush v34, $0xB;
	v35 =	vld.msk [tilespmem:s13+$0x18], $0x1;
	_ =	sdelay $0x4  }
0x85: {  	v58 =	vshrl.u32 v35, $0x3  }
0x86: {  	v36 =	vmul.u32 $0x1870, v58  }
0x87: {  	v35 =	vand.u32 $0x7, v35  }
0x88: {  	v35 =	vor.u32 v35, v36  }
0x89: {  	v35 =	vperm.xlane v35, v2;
	_ =	sdelay $0x1  }
0x8a: {  	v35 =	vadd.s32 v1, v35;
	_ =	sdelay $0x3  }
0x8b: {  	s22 =	sadd.s32 $0x1980, s17;
	s23 =	spop (v2sf)  }
0x8c: {  	[tilespmem:s22], [sflag:$0x1] =	stream.indirect_vreg.gather [hbm4b:s23+s1], $0x80, v35, vm0, $0xb8;
	[tilespmem:$0x11600] =	vst v63  }
0x8d: {  	(v2sf) =	vpush v34, $0xC;
	v35 =	vld.msk [tilespmem:s13+$0x20], $0x1;
	_ =	sdelay $0x4  }
0x8e: {  	v59 =	vshrl.u32 v35, $0x3  }
0x8f: {  	v36 =	vmul.u32 $0x1870, v59  }
0x90: {  	v35 =	vand.u32 $0x7, v35  }
0x91: {  	v35 =	vor.u32 v35, v36  }
0x92: {  	v35 =	vperm.xlane v35, v2;
	_ =	sdelay $0x1  }
0x93: {  	v35 =	vadd.s32 v1, v35;
	_ =	sdelay $0x3  }
0x94: {  	s24 =	sadd.s32 $0x1A00, s17;
	s25 =	spop (v2sf)  }
0x95: {  	[tilespmem:s24], [sflag:$0x1] =	stream.indirect_vreg.gather [hbm4b:s25+s1], $0x80, v35, vm0, $0xb8;
	[tilespmem:$0x11600] =	vst v63  }
0x96: {  	(v2sf) =	vpush v34, $0xD;
	v35 =	vld.msk [tilespmem:s13+$0x28], $0x1;
	_ =	sdelay $0x4  }
0x97: {  	v60 =	vshrl.u32 v35, $0x3  }
0x98: {  	v36 =	vmul.u32 $0x1870, v60  }
0x99: {  	v35 =	vand.u32 $0x7, v35  }
0x9a: {  	v35 =	vor.u32 v35, v36  }
0x9b: {  	v35 =	vperm.xlane v35, v2;
	_ =	sdelay $0x1  }
0x9c: {  	v35 =	vadd.s32 v1, v35;
	_ =	sdelay $0x3  }
0x9d: {  	s26 =	sadd.s32 $0x1A80, s17;
	s28 =	spop (v2sf)  }
0x9e: {  	[tilespmem:s26], [sflag:$0x1] =	stream.indirect_vreg.gather [hbm4b:s28+s1], $0x80, v35, vm0, $0xb8;
	[tilespmem:$0x11600] =	vst v63  }
0x9f: {  	(v2sf) =	vpush v34, $0xE;
	v35 =	vld.msk [tilespmem:s13+$0x30], $0x1;
	_ =	sdelay $0x4  }
0xa0: {  	v61 =	vshrl.u32 v35, $0x3  }
0xa1: {  	v36 =	vmul.u32 $0x1870, v61  }
0xa2: {  	v35 =	vand.u32 $0x7, v35  }
0xa3: {  	v35 =	vor.u32 v35, v36  }
0xa4: {  	v35 =	vperm.xlane v35, v2;
	_ =	sdelay $0x1  }
0xa5: {  	v35 =	vadd.s32 v1, v35;
	_ =	sdelay $0x3  }
0xa6: {  	s29 =	sadd.s32 $0x1B00, s17;
	s30 =	spop (v2sf)  }
0xa7: {  	[tilespmem:s29], [sflag:$0x1] =	stream.indirect_vreg.gather [hbm4b:s30+s1], $0x80, v35, vm0, $0xb8;
	[tilespmem:$0x11600] =	vst v63  }
0xa8: {  	(v2sf) =	vpush v34, $0xF;
	v62 =	vld.msk [tilespmem:s13+$0x38], $0x1;
	_ =	sdelay $0x4  }
0xa9: {  	v63 =	vshrl.u32 v62, $0x3  }
0xaa: {  	v35 =	vmul.u32 $0x1870, v63  }
0xab: {  	v34 =	vand.u32 $0x7, v62  }
0xac: {  	v34 =	vor.u32 v34, v35  }
0xad: {  	v34 =	vperm.xlane v34, v2;
	_ =	sdelay $0x1  }
0xae: {  	p0 =	sne.s32 s16, $0x3E000;
	v34 =	vadd.s32 v1, v34  }
.Ltmp0:
0xaf: {  	_ = 	snop;
	(pc) =	sbr.rel @p0 .LBB2_2-.Ltmp0, $4  }
0xb0: {  	s15 =	sadd.s32 $0x10, s15  }
0xb1: {  	s12 =	sadd.s32 $0x10, s12;
	s16 =	sadd.s32 $0x2000, s16;
	s14 =	sadd.s32 $0x10, s14  }
0xb2: {  	s17 =	sadd.s32 $0x1B80, s17;
	s31 =	spop (v2sf);
	s13 =	sadd.s32 $0x80, s13  }
0xb3: {  	[tilespmem:s17], [sflag:$0x1] =	stream.indirect_vreg.gather [hbm4b:s31+s1], $0x80, v34, vm0, $0xb8;
	[tilespmem:$0x11600] =	vst v63  }
0xb4: {  	_ =	swait.ge [sflag:s7], $0x10000  }
0xb5: {  	[sflag:s7] =	ssyncset.done $0x0  }
0xb6: {  	[sflag:s7] =	ssyncadd.s32 $0xFFFF0000  }
0xb7: {  	v34 =	vld [tilespmem:$0x0];
	_ =	sdelay $0x4  }
0xb8: {  	v34 =	vand.u32 $0x7F, v34  }
0xb9: {  	v35 =	vld [tilespmem:$0x10];
	v34 =	vor.u32 v0, v34;
	_ =	sdelay $0x4  }
0xba: {  	v35 =	vand.u32 $0x7F, v35;
	v34 =	vld.idx.msk [tilespmem:v34+s8+$0x0], $0xffff  }
0xbb: {  	v36 =	vld [tilespmem:$0x20];
	v35 =	vor.u32 v3, v35;
	_ =	sdelay $0x3  }
0xbc: {  	[tilespmem:$0x11400] =	vst v34  }
0xbd: {  	v54 =	vand.u32 $0x7F, v36;
	v34 =	vld.idx.msk [tilespmem:v35+s8+$0x0], $0xffff  }
0xbe: {  	v55 =	vld [tilespmem:$0x30];
	v35 =	vor.u32 v4, v54;
	_ =	sdelay $0x3  }
0xbf: {  	[tilespmem:$0x11410] =	vst v34  }
0xc0: {  	v56 =	vand.u32 $0x7F, v55;
	v34 =	vld.idx.msk [tilespmem:v35+s8+$0x0], $0xffff  }
0xc1: {  	v57 =	vld [tilespmem:$0x40];
	v35 =	vor.u32 v5, v56;
	_ =	sdelay $0x3  }
0xc2: {  	[tilespmem:$0x11420] =	vst v34  }
0xc3: {  	v58 =	vand.u32 $0x7F, v57;
	v34 =	vld.idx.msk [tilespmem:v35+s8+$0x0], $0xffff  }
0xc4: {  	v59 =	vld [tilespmem:$0x50];
	v35 =	vor.u32 v6, v58;
	_ =	sdelay $0x3  }
0xc5: {  	[tilespmem:$0x11430] =	vst v34  }
0xc6: {  	v60 =	vand.u32 $0x7F, v59;
	v34 =	vld.idx.msk [tilespmem:v35+s8+$0x0], $0xffff  }
0xc7: {  	v61 =	vld [tilespmem:$0x60];
	v35 =	vor.u32 v7, v60;
	_ =	sdelay $0x3  }
0xc8: {  	[tilespmem:$0x11440] =	vst v34  }
0xc9: {  	v62 =	vand.u32 $0x7F, v61;
	v34 =	vld.idx.msk [tilespmem:v35+s8+$0x0], $0xffff  }
0xca: {  	v63 =	vld [tilespmem:$0x70];
	v35 =	vor.u32 v8, v62;
	_ =	sdelay $0x3  }
0xcb: {  	[tilespmem:$0x11450] =	vst v34  }
0xcc: {  	v40 =	vand.u32 $0x7F, v63;
	v34 =	vld.idx.msk [tilespmem:v35+s8+$0x0], $0xffff  }
0xcd: {  	v41 =	vld [tilespmem:$0x80];
	v35 =	vor.u32 v9, v40;
	_ =	sdelay $0x3  }
0xce: {  	[tilespmem:$0x11460] =	vst v34  }
0xcf: {  	v42 =	vand.u32 $0x7F, v41;
	v34 =	vld.idx.msk [tilespmem:v35+s8+$0x0], $0xffff  }
0xd0: {  	v43 =	vld [tilespmem:$0x90];
	v35 =	vor.u32 v10, v42;
	_ =	sdelay $0x3  }
0xd1: {  	[tilespmem:$0x11470] =	vst v34  }
0xd2: {  	v44 =	vand.u32 $0x7F, v43;
	v34 =	vld.idx.msk [tilespmem:v35+s8+$0x0], $0xffff  }
0xd3: {  	v45 =	vld [tilespmem:$0xA0];
	v35 =	vor.u32 v11, v44;
	_ =	sdelay $0x3  }
0xd4: {  	[tilespmem:$0x11480] =	vst v34  }
0xd5: {  	v46 =	vand.u32 $0x7F, v45;
	v34 =	vld.idx.msk [tilespmem:v35+s8+$0x0], $0xffff  }
0xd6: {  	v47 =	vld [tilespmem:$0xB0];
	v35 =	vor.u32 v12, v46;
	_ =	sdelay $0x3  }
0xd7: {  	[tilespmem:$0x11490] =	vst v34  }
0xd8: {  	v48 =	vand.u32 $0x7F, v47;
	v34 =	vld.idx.msk [tilespmem:v35+s8+$0x0], $0xffff  }
0xd9: {  	v49 =	vld [tilespmem:$0xC0];
	v35 =	vor.u32 v13, v48;
	_ =	sdelay $0x3  }
0xda: {  	[tilespmem:$0x114A0] =	vst v34  }
0xdb: {  	v50 =	vand.u32 $0x7F, v49;
	v34 =	vld.idx.msk [tilespmem:v35+s8+$0x0], $0xffff  }
0xdc: {  	v51 =	vld [tilespmem:$0xD0];
	v35 =	vor.u32 v14, v50;
	_ =	sdelay $0x3  }
0xdd: {  	[tilespmem:$0x114B0] =	vst v34  }
0xde: {  	v52 =	vand.u32 $0x7F, v51;
	v34 =	vld.idx.msk [tilespmem:v35+s8+$0x0], $0xffff  }
0xdf: {  	v53 =	vld [tilespmem:$0xE0];
	v35 =	vor.u32 v15, v52;
	_ =	sdelay $0x3  }
0xe0: {  	[tilespmem:$0x114C0] =	vst v34  }
0xe1: {  	v54 =	vand.u32 $0x7F, v53;
	v34 =	vld.idx.msk [tilespmem:v35+s8+$0x0], $0xffff  }
0xe2: {  	v55 =	vld [tilespmem:$0xF0];
	v35 =	vor.u32 v16, v54;
	_ =	sdelay $0x3  }
0xe3: {  	[tilespmem:$0x114D0] =	vst v34  }
0xe4: {  	v56 =	vand.u32 $0x7F, v55;
	v34 =	vld.idx.msk [tilespmem:v35+s8+$0x0], $0xffff  }
0xe5: {  	v57 =	vld [tilespmem:$0x100];
	v35 =	vor.u32 v17, v56;
	_ =	sdelay $0x3  }
0xe6: {  	[tilespmem:$0x114E0] =	vst v34  }
0xe7: {  	v58 =	vand.u32 $0x7F, v57;
	v34 =	vld.idx.msk [tilespmem:v35+s8+$0x0], $0xffff  }
0xe8: {  	v59 =	vld [tilespmem:$0x110];
	v35 =	vor.u32 v18, v58;
	_ =	sdelay $0x3  }
0xe9: {  	[tilespmem:$0x114F0] =	vst v34  }
0xea: {  	v60 =	vand.u32 $0x7F, v59;
	v34 =	vld.idx.msk [tilespmem:v35+s8+$0x0], $0xffff  }
0xeb: {  	v61 =	vld [tilespmem:$0x120];
	v35 =	vor.u32 v19, v60;
	_ =	sdelay $0x3  }
0xec: {  	[tilespmem:$0x11500] =	vst v34  }
0xed: {  	v62 =	vand.u32 $0x7F, v61;
	v34 =	vld.idx.msk [tilespmem:v35+s8+$0x0], $0xffff  }
0xee: {  	v63 =	vld [tilespmem:$0x130];
	v35 =	vor.u32 v20, v62;
	_ =	sdelay $0x3  }
0xef: {  	[tilespmem:$0x11510] =	vst v34  }
0xf0: {  	v39 =	vand.u32 $0x7F, v63;
	v34 =	vld.idx.msk [tilespmem:v35+s8+$0x0], $0xffff  }
0xf1: {  	v40 =	vld [tilespmem:$0x140];
	v35 =	vor.u32 v21, v39;
	_ =	sdelay $0x3  }
0xf2: {  	[tilespmem:$0x11520] =	vst v34  }
0xf3: {  	v41 =	vand.u32 $0x7F, v40;
	v34 =	vld.idx.msk [tilespmem:v35+s8+$0x0], $0xffff  }
0xf4: {  	v42 =	vld [tilespmem:$0x150];
	v35 =	vor.u32 v22, v41;
	_ =	sdelay $0x3  }
0xf5: {  	[tilespmem:$0x11530] =	vst v34  }
0xf6: {  	v43 =	vand.u32 $0x7F, v42;
	v34 =	vld.idx.msk [tilespmem:v35+s8+$0x0], $0xffff  }
0xf7: {  	v44 =	vld [tilespmem:$0x160];
	v35 =	vor.u32 v23, v43;
	_ =	sdelay $0x3  }
0xf8: {  	[tilespmem:$0x11540] =	vst v34  }
0xf9: {  	v45 =	vand.u32 $0x7F, v44;
	v34 =	vld.idx.msk [tilespmem:v35+s8+$0x0], $0xffff  }
0xfa: {  	v46 =	vld [tilespmem:$0x170];
	v35 =	vor.u32 v24, v45;
	_ =	sdelay $0x3  }
0xfb: {  	[tilespmem:$0x11550] =	vst v34  }
0xfc: {  	v47 =	vand.u32 $0x7F, v46;
	v34 =	vld.idx.msk [tilespmem:v35+s8+$0x0], $0xffff  }
0xfd: {  	v48 =	vld [tilespmem:$0x180];
	v35 =	vor.u32 v25, v47;
	_ =	sdelay $0x3  }
0xfe: {  	[tilespmem:$0x11560] =	vst v34  }
0xff: {  	v49 =	vand.u32 $0x7F, v48;
	v34 =	vld.idx.msk [tilespmem:v35+s8+$0x0], $0xffff  }
0x100: {  	v50 =	vld [tilespmem:$0x190];
	v35 =	vor.u32 v26, v49;
	_ =	sdelay $0x3  }
0x101: {  	[tilespmem:$0x11570] =	vst v34  }
0x102: {  	v51 =	vand.u32 $0x7F, v50;
	v34 =	vld.idx.msk [tilespmem:v35+s8+$0x0], $0xffff  }
0x103: {  	v52 =	vld [tilespmem:$0x1A0];
	v35 =	vor.u32 v27, v51;
	_ =	sdelay $0x3  }
0x104: {  	[tilespmem:$0x11580] =	vst v34  }
0x105: {  	v53 =	vand.u32 $0x7F, v52;
	v34 =	vld.idx.msk [tilespmem:v35+s8+$0x0], $0xffff  }
0x106: {  	v54 =	vld [tilespmem:$0x1B0];
	v35 =	vor.u32 v28, v53;
	_ =	sdelay $0x3  }
0x107: {  	[tilespmem:$0x11590] =	vst v34  }
0x108: {  	v55 =	vand.u32 $0x7F, v54;
	v34 =	vld.idx.msk [tilespmem:v35+s8+$0x0], $0xffff  }
0x109: {  	v56 =	vld [tilespmem:$0x1C0];
	v35 =	vor.u32 v29, v55;
	_ =	sdelay $0x3  }
0x10a: {  	[tilespmem:$0x115A0] =	vst v34  }
0x10b: {  	v57 =	vand.u32 $0x7F, v56;
	v34 =	vld.idx.msk [tilespmem:v35+s8+$0x0], $0xffff  }
0x10c: {  	v58 =	vld [tilespmem:$0x1D0];
	v35 =	vor.u32 v30, v57;
	_ =	sdelay $0x3  }
0x10d: {  	[tilespmem:$0x115B0] =	vst v34  }
0x10e: {  	v59 =	vand.u32 $0x7F, v58;
	v34 =	vld.idx.msk [tilespmem:v35+s8+$0x0], $0xffff  }
0x10f: {  	v60 =	vld [tilespmem:$0x1E0];
	v35 =	vor.u32 v31, v59;
	_ =	sdelay $0x3  }
0x110: {  	[tilespmem:$0x115C0] =	vst v34  }
0x111: {  	v61 =	vand.u32 $0x7F, v60;
	v34 =	vld.idx.msk [tilespmem:v35+s8+$0x0], $0xffff  }
0x112: {  	v62 =	vld [tilespmem:$0x1F0];
	v35 =	vor.u32 v32, v61;
	_ =	sdelay $0x3  }
0x113: {  	[tilespmem:$0x115D0] =	vst v34  }
0x114: {  	v63 =	vand.u32 $0x7F, v62;
	v34 =	vld.idx.msk [tilespmem:v35+s8+$0x0], $0xffff  }
0x115: {  	v35 =	vor.u32 v33, v63;
	_ =	sdelay $0x3  }
0x116: {  	[tilespmem:$0x115E0] =	vst v34  }
0x117: {  	v34 =	vld.idx.msk [tilespmem:v35+s8+$0x0], $0xffff;
	_ =	sdelay $0x2  }
0x118: {  	s11 =	sadd.s32 $0x1, s11  }
0x119: {  	p0 =	sne.s32 s11, s6  }
.Ltmp1:
0x11a: {  	[tilespmem:$0x115F0] =	vst v34;
	(pc) =	sbr.rel @p0 .LBB2_1-.Ltmp1, $4  }
0x11b: {  	[hbm4b:s5+s1] =	stream.linear.scatter [tilespmem:s9], [sflag:$0x2], $0x200, $0x38;
	[tilespmem:$0x11600] =	vst v63  }
0x11c: {  	_ =	swait.ge [sflag:s10], $0x200  }
0x11d: {  	[sflag:s10] =	ssyncset.done $0x0  }
0x11e: {  	[sflag:s10] =	ssyncadd.s32 $0xFFFFFE00  }
0x11f: {  	_ =	sfence.sel $0x180000  }
0x120: {  	[bflag:$0x0] =	sbarrier.arrive $0xFFFF  }
0x121: {  	p0 =	sne.s32 s2, $0x0;
	_ =	strace $0x90000047  }
0x122: {  	s0 =	sadd.s32 @!p0 $0x100000, s0;
	[bflag:$0x2] =	sbarrier.arrive $0xFFFF  }
0x123: {  	[sflag:s0] =	ssyncadd.tile.s32 @!p0 $0x1;
	_ =	shalt  }
.Lfunc_end2:
_tile_overlayer_lowered:
.L_overlay_start_2:
0x124: {  	(tag) =	ssettag $0x2  }
0x125: {  	s0 =	rddreg [dreg:$0x0];
	s2 =	stileid.u32  }
0x126: {  	s1 =	rddreg [dreg:$0x1];
	p0 =	sne.s32 s2, $0x0  }
0x127: {  	s3 =	rddreg [dreg:$0x2];
	[bflag:$0x3] =	sbarrier.arrive $0xFFFF;
	s2 =	simm.s32 @!p0 $0x1C02  }
0x128: {  	[timem:s3], [sflag:s2] =	dma.local @!p0 [hbm:s0], s1  }
0x129: {  	s0 =	simm.s32 @!p0 $0x2  }
0x12a: {  	_ =	swait.ge @!p0 [sflag:s0], s1  }
0x12b: {  	s1 =	ssub.s32 @!p0 $0x0, s1;
	[sflag:s0] =	ssyncset.done @!p0 $0x0  }
0x12c: {  	[sflag:s0] =	ssyncadd.s32 @!p0 s1  }
0x12d: {  	[bflag:$0x3] =	sbarrier.arrive $0xFFFF  }
0x12e: {  	_ =	shalt  }

</sc_bundles>
